<compile_context>
chip_gen: v7x
topology: tpu7x:2x2x1
jax: 0.10.2.dev20260603
libtpu: 0.0.44.dev20260713+nightly
codegen_flags: <defaults>
</compile_context>

<pallas_src>
import functools

import jax
import jax.numpy as jnp
from jax import lax
from jax.experimental import pallas as pl
from jax.experimental.pallas import tpu as pltpu
from jax.experimental.pallas import tpu_sc as plsc

N, D, E = 10000, 128, 320000
NC, NS = 2, 16
NW = NC * NS
EPT = E // NW
CH = 80
NJ = EPT // CH
NB = 4
NTRIP = NJ // NB
NPAD = 10240
RPT = NPAD // NS


def _sc_agg_body(x_hbm, src_hbm, dst_hbm, zero_hbm, out_hbm,
                 agg_sh, srcs, dsts, rows, gsems, ssems, isems, dsems):
    c = lax.axis_index("c")
    s = lax.axis_index("s")
    wid = s * NC + c

    pltpu.sync_copy(zero_hbm, agg_sh.at[pl.ds(s * RPT, RPT)])
    plsc.subcore_barrier()

    ebase = wid * EPT

    def load_src(j, k):
        pltpu.async_copy(src_hbm.at[pl.ds(ebase + j * CH, CH)],
                         srcs.at[k], isems.at[k])

    def load_dst(j, k):
        pltpu.async_copy(dst_hbm.at[pl.ds(ebase + j * CH, CH)],
                         dsts.at[k], dsems.at[k])

    def gather(k):
        return pltpu.async_copy(x_hbm.at[srcs.at[k]], rows.at[k],
                                gsems.at[k])

    def scatter(k):
        return pltpu.async_copy(rows.at[k], agg_sh.at[dsts.at[k]],
                                ssems.at[k], add=True)

    def wait_sem(ref, sem):
        pltpu.make_async_copy(dst_hbm.at[pl.ds(0, CH)], ref, sem).wait()

    def wait_rows(k):
        pltpu.make_async_copy(x_hbm.at[srcs.at[k]], rows.at[k],
                              gsems.at[k]).wait()

    for k in range(NB):
        load_src(k, k)
        load_dst(k, k)
    for k in range(NB):
        wait_sem(srcs.at[k], isems.at[k])
        gather(k)

    def trip(t, carry):
        j = t * NB
        scs = []
        for k in range(NB):
            wait_rows(k)
            wait_sem(dsts.at[k], dsems.at[k])
            scs.append(scatter(k))
            if k < NJ % NB:
                load_src(j + k + NB, k)
            else:
                @pl.when(t < NTRIP - 1)
                def _presrc(k=k, nxt=j + k + NB):
                    load_src(nxt, k)
        for k in range(NB):
            scs[k].wait()
            if k < NJ % NB:
                load_dst(j + k + NB, k)
                wait_sem(srcs.at[k], isems.at[k])
                gather(k)
            else:
                @pl.when(t < NTRIP - 1)
                def _prefetch(k=k, nxt=j + k + NB):
                    load_dst(nxt, k)
                    wait_sem(srcs.at[k], isems.at[k])
                    gather(k)
        return carry

    lax.fori_loop(0, NTRIP, trip, 0)

    for k in range(NJ % NB):
        wait_rows(k)
        wait_sem(dsts.at[k], dsems.at[k])
        scatter(k).wait()

    plsc.subcore_barrier()
    pltpu.sync_copy(agg_sh.at[pl.ds(s * RPT, RPT)],
                    out_hbm.at[c, pl.ds(s * RPT, RPT)])


@functools.cache
def _sc_agg():
    return pl.kernel(
        _sc_agg_body,
        mesh=plsc.VectorSubcoreMesh(core_axis_name="c", subcore_axis_name="s"),
        out_type=jax.ShapeDtypeStruct((NC, NPAD, D), jnp.float32),
        scratch_types=[
            pltpu.VMEM_SHARED((NPAD, D), jnp.float32),
            pltpu.VMEM((NB, CH), jnp.int32),
            pltpu.VMEM((NB, CH), jnp.int32),
            pltpu.VMEM((NB, CH, D), jnp.float32),
            pltpu.SemaphoreType.DMA((NB,)),
            pltpu.SemaphoreType.DMA((NB,)),
            pltpu.SemaphoreType.DMA((NB,)),
            pltpu.SemaphoreType.DMA((NB,)),
        ],
    )


def _tc_body(x_ref, p_ref, wt_ref, b_ref, g_ref, bt_ref, eps_ref, o_ref):
    x = x_ref[...]
    agg = p_ref[0, :N] + p_ref[1, :N]
    u = (1.0 + eps_ref[0, 0]) * x + agg
    h = jnp.dot(u, wt_ref[...], preferred_element_type=jnp.float32) + b_ref[...]
    mean = jnp.mean(h, axis=0, keepdims=True)
    var = jnp.mean(h * h, axis=0, keepdims=True) - mean * mean
    hn = (h - mean) * lax.rsqrt(var + 1e-5) * g_ref[...] + bt_ref[...]
    o_ref[...] = jnp.maximum(hn, 0.0) + x


def kernel(x, edge_index, W, b, eps, gamma, beta):
    partials = _sc_agg()(x, edge_index[0], edge_index[1],
                         jnp.zeros((RPT, D), jnp.float32))
    return pl.pallas_call(
        _tc_body,
        out_shape=jax.ShapeDtypeStruct((N, D), jnp.float32),
    )(x, partials, W.T,
      b.reshape(1, D), gamma.reshape(1, D), beta.reshape(1, D),
      eps.reshape(1, 1))

# --- scband reference (transcript-rebuilt; emitter-appended) ---
"""Pipeline reference for scband-emb-res-gcnblock-3582002725001 (READ-ONLY COPY).

The authoritative reference and input builder live on the scoring server;
editing this copy changes nothing except your own understanding.
"""

import jax, jax.numpy as jnp
import numpy as np

N, D, E = 10000, 128, 320000

def setup_inputs(seed: int = 0):
    key = jax.random.key(seed)
    k1, k2, k3 = jax.random.split(key, 3)
    x = jax.random.normal(k1, (N, D), dtype=jnp.float32)
    edge_index = jax.random.randint(k2, (2, E), 0, N, dtype=jnp.int32)
    # GINConv nn = MLP([128,128]) -> single Linear (plain_last=True in PyG MLP)
    W = jax.random.normal(k3, (D, D), dtype=jnp.float32) * 0.05
    b = jnp.zeros((D,), dtype=jnp.float32)
    eps = jnp.zeros((), dtype=jnp.float32)  # train_eps=True, init 0
    gamma = jnp.ones((D,), dtype=jnp.float32)  # BatchNorm weight
    beta = jnp.zeros((D,), dtype=jnp.float32)  # BatchNorm bias
    return {"x": x, "edge_index": edge_index, "W": W, "b": b, "eps": eps, "gamma": gamma, "beta": beta}

def reference(x, edge_index, W, b, eps, gamma, beta):
    src = edge_index[0]
    dst = edge_index[1]
    # GIN aggregation: sum over incoming neighbor messages (scatter-add at dst)
    agg = jnp.zeros_like(x).at[dst].add(x[src])
    h = (1.0 + eps) * x + agg
    # MLP([128,128]) = Linear
    h = h @ W.T + b
    # BatchNorm1d over node dimension (training-mode batch stats, eps=1e-5)
    mean = jnp.mean(h, axis=0)
    var = jnp.var(h, axis=0)
    h = (h - mean) / jnp.sqrt(var + 1e-5) * gamma + beta
    h = jax.nn.relu(h)
    # residual (Identity)
    return h + x

if __name__ == "__main__":
    import jax
    _d = setup_inputs()
    print(jax.jit(kernel)(*tuple(_d.values())))

</pallas_src>

<mosaic_0001>
#map = affine_map<(d0, d1) -> (0, 0)>
#map1 = affine_map<(d0, d1) -> (0)>
#map2 = affine_map<(d0, d1) -> (0, 0, 0)>
module attributes {stable_mosaic.version = 14 : i64} {
  func.func @_sc_agg_body(%arg0: i32, %arg1: i32, %arg2: memref<10000x128xf32, #tpu.memory_space<hbm>>, %arg3: memref<320000xi32, #tpu.memory_space<hbm>>, %arg4: memref<320000xi32, #tpu.memory_space<hbm>>, %arg5: memref<640x128xf32, #tpu.memory_space<hbm>>, %arg6: memref<2x10240x128xf32, #tpu.memory_space<hbm>>, %arg7: memref<10240x128xf32, #tpu.memory_space<vmem_shared>>, %arg8: memref<4x80xi32, #tpu.memory_space<vmem>>, %arg9: memref<4x80xi32, #tpu.memory_space<vmem>>, %arg10: memref<4x80x128xf32, #tpu.memory_space<vmem>>, %arg11: memref<4x!tpu.dma_semaphore, #tpu.memory_space<semaphore_mem>>, %arg12: memref<4x!tpu.dma_semaphore, #tpu.memory_space<semaphore_mem>>, %arg13: memref<4x!tpu.dma_semaphore, #tpu.memory_space<semaphore_mem>>, %arg14: memref<4x!tpu.dma_semaphore, #tpu.memory_space<semaphore_mem>>) attributes {dimension_semantics = [#tpu.dimension_semantics<core_parallel>, #tpu.dimension_semantics<subcore_parallel>], iteration_bounds = array<i64: 2, 16>, scalar_prefetch = 0 : i64, scratch_operands = 8 : i64, tpu.core_type = #tpu.core_type<sc_vector_subcore>, window_params = [{transform_indices = #map}, {transform_indices = #map1}, {transform_indices = #map1}, {transform_indices = #map}, {transform_indices = #map2}]} {
    %mul3A = arith.constant 2 : i32
    %mul3A_0 = arith.muli %arg1, %mul3A : i32
    %add3A = arith.addi %mul3A_0, %arg0 : i32
    %mul3A_1 = arith.constant 640 : i32
    %mul3A_2 = arith.muli %arg1, %mul3A_1 : i32
    "tpu.region"() ({
      %run_scoped3A = tpu.sem_alloc : memref<!tpu.dma_semaphore, #tpu.memory_space<semaphore_mem>>
      %dma_start3A_300 = arith.constant 0 : i32
      %dma_start3A_301 = tpu.memref_slice %arg7[%mul3A_2, %dma_start3A_300] : memref<10240x128xf32, #tpu.memory_space<vmem_shared>> -> memref<640x128xf32, #tpu.memory_space<vmem_shared>>
      tpu.enqueue_dma source(%arg5 : memref<640x128xf32, #tpu.memory_space<hbm>>) target(%dma_start3A_301 : memref<640x128xf32, #tpu.memory_space<vmem_shared>>) target_semaphore(%run_scoped3A : memref<!tpu.dma_semaphore, #tpu.memory_space<semaphore_mem>>)
      %dma_wait3A_302 = arith.constant 0 : i32
      %dma_wait3A_303 = tpu.memref_slice %arg7[%mul3A_2, %dma_wait3A_302] : memref<10240x128xf32, #tpu.memory_space<vmem_shared>> -> memref<640x128xf32, #tpu.memory_space<vmem_shared>>
      tpu.wait_dma2 semaphore(%run_scoped3A : memref<!tpu.dma_semaphore, #tpu.memory_space<semaphore_mem>>) src(%arg5 : memref<640x128xf32, #tpu.memory_space<hbm>>) dst(%dma_wait3A_303 : memref<640x128xf32, #tpu.memory_space<vmem_shared>>)
      tpu.yield
    }) : () -> ()
    %barrier3A = arith.constant 0 : index
    tpu.barrier barrier_id(%barrier3A)
    %mul3A_3 = arith.constant 10000 : i32
    %mul3A_4 = arith.muli %add3A, %mul3A_3 : i32
    %add3A_5 = arith.constant 0 : i32
    %add3A_6 = arith.addi %mul3A_4, %add3A_5 : i32
    %dma_start3A = arith.constant 0 : i32
    %dma_start3A_7 = arith.constant 0 : i32
    %dma_start3A_8 = arith.constant 0 : i32
    %dma_start3A_9 = tpu.memref_slice %arg8[%dma_start3A, %dma_start3A_8] : memref<4x80xi32, #tpu.memory_space<vmem>> -> memref<1x80xi32, #tpu.memory_space<vmem>>
    %dma_start3A_10 = tpu.memref_squeeze %dma_start3A_9 : memref<1x80xi32, #tpu.memory_space<vmem>> -> memref<80xi32, #tpu.memory_space<vmem>>
    %dma_start3A_11 = tpu.memref_slice %arg3[%add3A_6] : memref<320000xi32, #tpu.memory_space<hbm>> -> memref<80xi32, #tpu.memory_space<hbm>>
    %dma_start3A_12 = tpu.memref_slice %arg13[%dma_start3A_7] : memref<4x!tpu.dma_semaphore, #tpu.memory_space<semaphore_mem>> -> memref<1x!tpu.dma_semaphore, #tpu.memory_space<semaphore_mem>>
    %dma_start3A_13 = tpu.memref_squeeze %dma_start3A_12 : memref<1x!tpu.dma_semaphore, #tpu.memory_space<semaphore_mem>> -> memref<!tpu.dma_semaphore, #tpu.memory_space<semaphore_mem>>
    %dma_start3A_14 = arith.constant 0 : i32
    %dma_start3A_15 = tpu.memref_slice %arg8[%dma_start3A, %dma_start3A_14] : memref<4x80xi32, #tpu.memory_space<vmem>> -> memref<1x80xi32, #tpu.memory_space<vmem>>
    %dma_start3A_16 = tpu.memref_squeeze %dma_start3A_15 : memref<1x80xi32, #tpu.memory_space<vmem>> -> memref<80xi32, #tpu.memory_space<vmem>>
    %dma_start3A_17 = tpu.memref_slice %arg3[%add3A_6] : memref<320000xi32, #tpu.memory_space<hbm>> -> memref<80xi32, #tpu.memory_space<hbm>>
    tpu.enqueue_dma source(%dma_start3A_17 : memref<80xi32, #tpu.memory_space<hbm>>) target(%dma_start3A_16 : memref<80xi32, #tpu.memory_space<vmem>>) target_semaphore(%dma_start3A_13 : memref<!tpu.dma_semaphore, #tpu.memory_space<semaphore_mem>>)
    %add3A_18 = arith.constant 0 : i32
    %add3A_19 = arith.addi %mul3A_4, %add3A_18 : i32
    %dma_start3A_20 = arith.constant 0 : i32
    %dma_start3A_21 = arith.constant 0 : i32
    %dma_start3A_22 = arith.constant 0 : i32
    %dma_start3A_23 = tpu.memref_slice %arg9[%dma_start3A_20, %dma_start3A_22] : memref<4x80xi32, #tpu.memory_space<vmem>> -> memref<1x80xi32, #tpu.memory_space<vmem>>
    %dma_start3A_24 = tpu.memref_squeeze %dma_start3A_23 : memref<1x80xi32, #tpu.memory_space<vmem>> -> memref<80xi32, #tpu.memory_space<vmem>>
    %dma_start3A_25 = tpu.memref_slice %arg4[%add3A_19] : memref<320000xi32, #tpu.memory_space<hbm>> -> memref<80xi32, #tpu.memory_space<hbm>>
    %dma_start3A_26 = tpu.memref_slice %arg14[%dma_start3A_21] : memref<4x!tpu.dma_semaphore, #tpu.memory_space<semaphore_mem>> -> memref<1x!tpu.dma_semaphore, #tpu.memory_space<semaphore_mem>>
    %dma_start3A_27 = tpu.memref_squeeze %dma_start3A_26 : memref<1x!tpu.dma_semaphore, #tpu.memory_space<semaphore_mem>> -> memref<!tpu.dma_semaphore, #tpu.memory_space<semaphore_mem>>
    %dma_start3A_28 = arith.constant 0 : i32
    %dma_start3A_29 = tpu.memref_slice %arg9[%dma_start3A_20, %dma_start3A_28] : memref<4x80xi32, #tpu.memory_space<vmem>> -> memref<1x80xi32, #tpu.memory_space<vmem>>
    %dma_start3A_30 = tpu.memref_squeeze %dma_start3A_29 : memref<1x80xi32, #tpu.memory_space<vmem>> -> memref<80xi32, #tpu.memory_space<vmem>>
    %dma_start3A_31 = tpu.memref_slice %arg4[%add3A_19] : memref<320000xi32, #tpu.memory_space<hbm>> -> memref<80xi32, #tpu.memory_space<hbm>>
    tpu.enqueue_dma source(%dma_start3A_31 : memref<80xi32, #tpu.memory_space<hbm>>) target(%dma_start3A_30 : memref<80xi32, #tpu.memory_space<vmem>>) target_semaphore(%dma_start3A_27 : memref<!tpu.dma_semaphore, #tpu.memory_space<semaphore_mem>>)
    %add3A_32 = arith.constant 80 : i32
    %add3A_33 = arith.addi %mul3A_4, %add3A_32 : i32
    %dma_start3A_34 = arith.constant 1 : i32
    %dma_start3A_35 = arith.constant 1 : i32
    %dma_start3A_36 = arith.constant 0 : i32
    %dma_start3A_37 = tpu.memref_slice %arg8[%dma_start3A_34, %dma_start3A_36] : memref<4x80xi32, #tpu.memory_space<vmem>> -> memref<1x80xi32, #tpu.memory_space<vmem>>
    %dma_start3A_38 = tpu.memref_squeeze %dma_start3A_37 : memref<1x80xi32, #tpu.memory_space<vmem>> -> memref<80xi32, #tpu.memory_space<vmem>>
    %dma_start3A_39 = tpu.memref_slice %arg3[%add3A_33] : memref<320000xi32, #tpu.memory_space<hbm>> -> memref<80xi32, #tpu.memory_space<hbm>>
    %dma_start3A_40 = tpu.memref_slice %arg13[%dma_start3A_35] : memref<4x!tpu.dma_semaphore, #tpu.memory_space<semaphore_mem>> -> memref<1x!tpu.dma_semaphore, #tpu.memory_space<semaphore_mem>>
    %dma_start3A_41 = tpu.memref_squeeze %dma_start3A_40 : memref<1x!tpu.dma_semaphore, #tpu.memory_space<semaphore_mem>> -> memref<!tpu.dma_semaphore, #tpu.memory_space<semaphore_mem>>
    %dma_start3A_42 = arith.constant 0 : i32
    %dma_start3A_43 = tpu.memref_slice %arg8[%dma_start3A_34, %dma_start3A_42] : memref<4x80xi32, #tpu.memory_space<vmem>> -> memref<1x80xi32, #tpu.memory_space<vmem>>
    %dma_start3A_44 = tpu.memref_squeeze %dma_start3A_43 : memref<1x80xi32, #tpu.memory_space<vmem>> -> memref<80xi32, #tpu.memory_space<vmem>>
    %dma_start3A_45 = tpu.memref_slice %arg3[%add3A_33] : memref<320000xi32, #tpu.memory_space<hbm>> -> memref<80xi32, #tpu.memory_space<hbm>>
    tpu.enqueue_dma source(%dma_start3A_45 : memref<80xi32, #tpu.memory_space<hbm>>) target(%dma_start3A_44 : memref<80xi32, #tpu.memory_space<vmem>>) target_semaphore(%dma_start3A_41 : memref<!tpu.dma_semaphore, #tpu.memory_space<semaphore_mem>>)
    %add3A_46 = arith.constant 80 : i32
    %add3A_47 = arith.addi %mul3A_4, %add3A_46 : i32
    %dma_start3A_48 = arith.constant 1 : i32
    %dma_start3A_49 = arith.constant 1 : i32
    %dma_start3A_50 = arith.constant 0 : i32
    %dma_start3A_51 = tpu.memref_slice %arg9[%dma_start3A_48, %dma_start3A_50] : memref<4x80xi32, #tpu.memory_space<vmem>> -> memref<1x80xi32, #tpu.memory_space<vmem>>
    %dma_start3A_52 = tpu.memref_squeeze %dma_start3A_51 : memref<1x80xi32, #tpu.memory_space<vmem>> -> memref<80xi32, #tpu.memory_space<vmem>>
    %dma_start3A_53 = tpu.memref_slice %arg4[%add3A_47] : memref<320000xi32, #tpu.memory_space<hbm>> -> memref<80xi32, #tpu.memory_space<hbm>>
    %dma_start3A_54 = tpu.memref_slice %arg14[%dma_start3A_49] : memref<4x!tpu.dma_semaphore, #tpu.memory_space<semaphore_mem>> -> memref<1x!tpu.dma_semaphore, #tpu.memory_space<semaphore_mem>>
    %dma_start3A_55 = tpu.memref_squeeze %dma_start3A_54 : memref<1x!tpu.dma_semaphore, #tpu.memory_space<semaphore_mem>> -> memref<!tpu.dma_semaphore, #tpu.memory_space<semaphore_mem>>
    %dma_start3A_56 = arith.constant 0 : i32
    %dma_start3A_57 = tpu.memref_slice %arg9[%dma_start3A_48, %dma_start3A_56] : memref<4x80xi32, #tpu.memory_space<vmem>> -> memref<1x80xi32, #tpu.memory_space<vmem>>
    %dma_start3A_58 = tpu.memref_squeeze %dma_start3A_57 : memref<1x80xi32, #tpu.memory_space<vmem>> -> memref<80xi32, #tpu.memory_space<vmem>>
    %dma_start3A_59 = tpu.memref_slice %arg4[%add3A_47] : memref<320000xi32, #tpu.memory_space<hbm>> -> memref<80xi32, #tpu.memory_space<hbm>>
    tpu.enqueue_dma source(%dma_start3A_59 : memref<80xi32, #tpu.memory_space<hbm>>) target(%dma_start3A_58 : memref<80xi32, #tpu.memory_space<vmem>>) target_semaphore(%dma_start3A_55 : memref<!tpu.dma_semaphore, #tpu.memory_space<semaphore_mem>>)
    %add3A_60 = arith.constant 160 : i32
    %add3A_61 = arith.addi %mul3A_4, %add3A_60 : i32
    %dma_start3A_62 = arith.constant 2 : i32
    %dma_start3A_63 = arith.constant 2 : i32
    %dma_start3A_64 = arith.constant 0 : i32
    %dma_start3A_65 = tpu.memref_slice %arg8[%dma_start3A_62, %dma_start3A_64] : memref<4x80xi32, #tpu.memory_space<vmem>> -> memref<1x80xi32, #tpu.memory_space<vmem>>
    %dma_start3A_66 = tpu.memref_squeeze %dma_start3A_65 : memref<1x80xi32, #tpu.memory_space<vmem>> -> memref<80xi32, #tpu.memory_space<vmem>>
    %dma_start3A_67 = tpu.memref_slice %arg3[%add3A_61] : memref<320000xi32, #tpu.memory_space<hbm>> -> memref<80xi32, #tpu.memory_space<hbm>>
    %dma_start3A_68 = tpu.memref_slice %arg13[%dma_start3A_63] : memref<4x!tpu.dma_semaphore, #tpu.memory_space<semaphore_mem>> -> memref<1x!tpu.dma_semaphore, #tpu.memory_space<semaphore_mem>>
    %dma_start3A_69 = tpu.memref_squeeze %dma_start3A_68 : memref<1x!tpu.dma_semaphore, #tpu.memory_space<semaphore_mem>> -> memref<!tpu.dma_semaphore, #tpu.memory_space<semaphore_mem>>
    %dma_start3A_70 = arith.constant 0 : i32
    %dma_start3A_71 = tpu.memref_slice %arg8[%dma_start3A_62, %dma_start3A_70] : memref<4x80xi32, #tpu.memory_space<vmem>> -> memref<1x80xi32, #tpu.memory_space<vmem>>
    %dma_start3A_72 = tpu.memref_squeeze %dma_start3A_71 : memref<1x80xi32, #tpu.memory_space<vmem>> -> memref<80xi32, #tpu.memory_space<vmem>>
    %dma_start3A_73 = tpu.memref_slice %arg3[%add3A_61] : memref<320000xi32, #tpu.memory_space<hbm>> -> memref<80xi32, #tpu.memory_space<hbm>>
    tpu.enqueue_dma source(%dma_start3A_73 : memref<80xi32, #tpu.memory_space<hbm>>) target(%dma_start3A_72 : memref<80xi32, #tpu.memory_space<vmem>>) target_semaphore(%dma_start3A_69 : memref<!tpu.dma_semaphore, #tpu.memory_space<semaphore_mem>>)
    %add3A_74 = arith.constant 160 : i32
    %add3A_75 = arith.addi %mul3A_4, %add3A_74 : i32
    %dma_start3A_76 = arith.constant 2 : i32
    %dma_start3A_77 = arith.constant 2 : i32
    %dma_start3A_78 = arith.constant 0 : i32
    %dma_start3A_79 = tpu.memref_slice %arg9[%dma_start3A_76, %dma_start3A_78] : memref<4x80xi32, #tpu.memory_space<vmem>> -> memref<1x80xi32, #tpu.memory_space<vmem>>
    %dma_start3A_80 = tpu.memref_squeeze %dma_start3A_79 : memref<1x80xi32, #tpu.memory_space<vmem>> -> memref<80xi32, #tpu.memory_space<vmem>>
    %dma_start3A_81 = tpu.memref_slice %arg4[%add3A_75] : memref<320000xi32, #tpu.memory_space<hbm>> -> memref<80xi32, #tpu.memory_space<hbm>>
    %dma_start3A_82 = tpu.memref_slice %arg14[%dma_start3A_77] : memref<4x!tpu.dma_semaphore, #tpu.memory_space<semaphore_mem>> -> memref<1x!tpu.dma_semaphore, #tpu.memory_space<semaphore_mem>>
    %dma_start3A_83 = tpu.memref_squeeze %dma_start3A_82 : memref<1x!tpu.dma_semaphore, #tpu.memory_space<semaphore_mem>> -> memref<!tpu.dma_semaphore, #tpu.memory_space<semaphore_mem>>
    %dma_start3A_84 = arith.constant 0 : i32
    %dma_start3A_85 = tpu.memref_slice %arg9[%dma_start3A_76, %dma_start3A_84] : memref<4x80xi32, #tpu.memory_space<vmem>> -> memref<1x80xi32, #tpu.memory_space<vmem>>
    %dma_start3A_86 = tpu.memref_squeeze %dma_start3A_85 : memref<1x80xi32, #tpu.memory_space<vmem>> -> memref<80xi32, #tpu.memory_space<vmem>>
    %dma_start3A_87 = tpu.memref_slice %arg4[%add3A_75] : memref<320000xi32, #tpu.memory_space<hbm>> -> memref<80xi32, #tpu.memory_space<hbm>>
    tpu.enqueue_dma source(%dma_start3A_87 : memref<80xi32, #tpu.memory_space<hbm>>) target(%dma_start3A_86 : memref<80xi32, #tpu.memory_space<vmem>>) target_semaphore(%dma_start3A_83 : memref<!tpu.dma_semaphore, #tpu.memory_space<semaphore_mem>>)
    %add3A_88 = arith.constant 240 : i32
    %add3A_89 = arith.addi %mul3A_4, %add3A_88 : i32
    %dma_start3A_90 = arith.constant 3 : i32
    %dma_start3A_91 = arith.constant 3 : i32
    %dma_start3A_92 = arith.constant 0 : i32
    %dma_start3A_93 = tpu.memref_slice %arg8[%dma_start3A_90, %dma_start3A_92] : memref<4x80xi32, #tpu.memory_space<vmem>> -> memref<1x80xi32, #tpu.memory_space<vmem>>
    %dma_start3A_94 = tpu.memref_squeeze %dma_start3A_93 : memref<1x80xi32, #tpu.memory_space<vmem>> -> memref<80xi32, #tpu.memory_space<vmem>>
    %dma_start3A_95 = tpu.memref_slice %arg3[%add3A_89] : memref<320000xi32, #tpu.memory_space<hbm>> -> memref<80xi32, #tpu.memory_space<hbm>>
    %dma_start3A_96 = tpu.memref_slice %arg13[%dma_start3A_91] : memref<4x!tpu.dma_semaphore, #tpu.memory_space<semaphore_mem>> -> memref<1x!tpu.dma_semaphore, #tpu.memory_space<semaphore_mem>>
    %dma_start3A_97 = tpu.memref_squeeze %dma_start3A_96 : memref<1x!tpu.dma_semaphore, #tpu.memory_space<semaphore_mem>> -> memref<!tpu.dma_semaphore, #tpu.memory_space<semaphore_mem>>
    %dma_start3A_98 = arith.constant 0 : i32
    %dma_start3A_99 = tpu.memref_slice %arg8[%dma_start3A_90, %dma_start3A_98] : memref<4x80xi32, #tpu.memory_space<vmem>> -> memref<1x80xi32, #tpu.memory_space<vmem>>
    %dma_start3A_100 = tpu.memref_squeeze %dma_start3A_99 : memref<1x80xi32, #tpu.memory_space<vmem>> -> memref<80xi32, #tpu.memory_space<vmem>>
    %dma_start3A_101 = tpu.memref_slice %arg3[%add3A_89] : memref<320000xi32, #tpu.memory_space<hbm>> -> memref<80xi32, #tpu.memory_space<hbm>>
    tpu.enqueue_dma source(%dma_start3A_101 : memref<80xi32, #tpu.memory_space<hbm>>) target(%dma_start3A_100 : memref<80xi32, #tpu.memory_space<vmem>>) target_semaphore(%dma_start3A_97 : memref<!tpu.dma_semaphore, #tpu.memory_space<semaphore_mem>>)
    %add3A_102 = arith.constant 240 : i32
    %add3A_103 = arith.addi %mul3A_4, %add3A_102 : i32
    %dma_start3A_104 = arith.constant 3 : i32
    %dma_start3A_105 = arith.constant 3 : i32
    %dma_start3A_106 = arith.constant 0 : i32
    %dma_start3A_107 = tpu.memref_slice %arg9[%dma_start3A_104, %dma_start3A_106] : memref<4x80xi32, #tpu.memory_space<vmem>> -> memref<1x80xi32, #tpu.memory_space<vmem>>
    %dma_start3A_108 = tpu.memref_squeeze %dma_start3A_107 : memref<1x80xi32, #tpu.memory_space<vmem>> -> memref<80xi32, #tpu.memory_space<vmem>>
    %dma_start3A_109 = tpu.memref_slice %arg4[%add3A_103] : memref<320000xi32, #tpu.memory_space<hbm>> -> memref<80xi32, #tpu.memory_space<hbm>>
    %dma_start3A_110 = tpu.memref_slice %arg14[%dma_start3A_105] : memref<4x!tpu.dma_semaphore, #tpu.memory_space<semaphore_mem>> -> memref<1x!tpu.dma_semaphore, #tpu.memory_space<semaphore_mem>>
    %dma_start3A_111 = tpu.memref_squeeze %dma_start3A_110 : memref<1x!tpu.dma_semaphore, #tpu.memory_space<semaphore_mem>> -> memref<!tpu.dma_semaphore, #tpu.memory_space<semaphore_mem>>
    %dma_start3A_112 = arith.constant 0 : i32
    %dma_start3A_113 = tpu.memref_slice %arg9[%dma_start3A_104, %dma_start3A_112] : memref<4x80xi32, #tpu.memory_space<vmem>> -> memref<1x80xi32, #tpu.memory_space<vmem>>
    %dma_start3A_114 = tpu.memref_squeeze %dma_start3A_113 : memref<1x80xi32, #tpu.memory_space<vmem>> -> memref<80xi32, #tpu.memory_space<vmem>>
    %dma_start3A_115 = tpu.memref_slice %arg4[%add3A_103] : memref<320000xi32, #tpu.memory_space<hbm>> -> memref<80xi32, #tpu.memory_space<hbm>>
    tpu.enqueue_dma source(%dma_start3A_115 : memref<80xi32, #tpu.memory_space<hbm>>) target(%dma_start3A_114 : memref<80xi32, #tpu.memory_space<vmem>>) target_semaphore(%dma_start3A_111 : memref<!tpu.dma_semaphore, #tpu.memory_space<semaphore_mem>>)
    %dma_wait3A = arith.constant 0 : i32
    %dma_wait3A_116 = arith.constant 0 : i32
    %dma_wait3A_117 = arith.constant 0 : i32
    %dma_wait3A_118 = tpu.memref_slice %arg8[%dma_wait3A, %dma_wait3A_117] : memref<4x80xi32, #tpu.memory_space<vmem>> -> memref<1x80xi32, #tpu.memory_space<vmem>>
    %dma_wait3A_119 = tpu.memref_squeeze %dma_wait3A_118 : memref<1x80xi32, #tpu.memory_space<vmem>> -> memref<80xi32, #tpu.memory_space<vmem>>
    %dma_wait3A_120 = arith.constant 0 : i32
    %dma_wait3A_121 = tpu.memref_slice %arg4[%dma_wait3A_120] : memref<320000xi32, #tpu.memory_space<hbm>> -> memref<80xi32, #tpu.memory_space<hbm>>
    %dma_wait3A_122 = tpu.memref_slice %arg13[%dma_wait3A_116] : memref<4x!tpu.dma_semaphore, #tpu.memory_space<semaphore_mem>> -> memref<1x!tpu.dma_semaphore, #tpu.memory_space<semaphore_mem>>
    %dma_wait3A_123 = tpu.memref_squeeze %dma_wait3A_122 : memref<1x!tpu.dma_semaphore, #tpu.memory_space<semaphore_mem>> -> memref<!tpu.dma_semaphore, #tpu.memory_space<semaphore_mem>>
    %dma_wait3A_124 = arith.constant 0 : i32
    %dma_wait3A_125 = tpu.memref_slice %arg8[%dma_wait3A, %dma_wait3A_124] : memref<4x80xi32, #tpu.memory_space<vmem>> -> memref<1x80xi32, #tpu.memory_space<vmem>>
    %dma_wait3A_126 = tpu.memref_squeeze %dma_wait3A_125 : memref<1x80xi32, #tpu.memory_space<vmem>> -> memref<80xi32, #tpu.memory_space<vmem>>
    %dma_wait3A_127 = arith.constant 0 : i32
    %dma_wait3A_128 = tpu.memref_slice %arg4[%dma_wait3A_127] : memref<320000xi32, #tpu.memory_space<hbm>> -> memref<80xi32, #tpu.memory_space<hbm>>
    tpu.wait_dma2 semaphore(%dma_wait3A_123 : memref<!tpu.dma_semaphore, #tpu.memory_space<semaphore_mem>>) src(%dma_wait3A_128 : memref<80xi32, #tpu.memory_space<hbm>>) dst(%dma_wait3A_126 : memref<80xi32, #tpu.memory_space<vmem>>)
    %dma_start3A_129 = arith.constant 0 : i32
    %dma_start3A_130 = arith.constant 0 : i32
    %dma_start3A_131 = arith.constant 0 : i32
    %dma_start3A_132 = arith.constant 0 : i32
    %dma_start3A_133 = arith.constant 0 : i32
    %dma_start3A_134 = tpu.memref_slice %arg10[%dma_start3A_130, %dma_start3A_132, %dma_start3A_133] : memref<4x80x128xf32, #tpu.memory_space<vmem>> -> memref<1x80x128xf32, #tpu.memory_space<vmem>>
    %dma_start3A_135 = tpu.memref_squeeze %dma_start3A_134 : memref<1x80x128xf32, #tpu.memory_space<vmem>> -> memref<80x128xf32, #tpu.memory_space<vmem>>
    %dma_start3A_136 = arith.constant 0 : i32
    %dma_start3A_137 = tpu.memref_slice %arg8[%dma_start3A_129, %dma_start3A_136] : memref<4x80xi32, #tpu.memory_space<vmem>> -> memref<1x80xi32, #tpu.memory_space<vmem>>
    %dma_start3A_138 = tpu.memref_squeeze %dma_start3A_137 : memref<1x80xi32, #tpu.memory_space<vmem>> -> memref<80xi32, #tpu.memory_space<vmem>>
    %dma_start3A_139 = arith.constant 0 : i32
    %dma_start3A_140 = arith.constant 0 : i32
    %dma_start3A_141 = tpu.memref_slice %arg2[%dma_start3A_139, %dma_start3A_140] : memref<10000x128xf32, #tpu.memory_space<hbm>> -> memref<10000x128xf32, #tpu.memory_space<hbm>>
    %dma_start3A_142 = tpu.memref_slice %arg11[%dma_start3A_131] : memref<4x!tpu.dma_semaphore, #tpu.memory_space<semaphore_mem>> -> memref<1x!tpu.dma_semaphore, #tpu.memory_space<semaphore_mem>>
    %dma_start3A_143 = tpu.memref_squeeze %dma_start3A_142 : memref<1x!tpu.dma_semaphore, #tpu.memory_space<semaphore_mem>> -> memref<!tpu.dma_semaphore, #tpu.memory_space<semaphore_mem>>
    tpu.enqueue_indirect_dma source(%dma_start3A_141 : memref<10000x128xf32, #tpu.memory_space<hbm>>) target(%dma_start3A_135 : memref<80x128xf32, #tpu.memory_space<vmem>>) offsets(%dma_start3A_138 : memref<80xi32, #tpu.memory_space<vmem>>) semaphore(%dma_start3A_143 : memref<!tpu.dma_semaphore, #tpu.memory_space<semaphore_mem>>)
    %dma_wait3A_144 = arith.constant 1 : i32
    %dma_wait3A_145 = arith.constant 1 : i32
    %dma_wait3A_146 = arith.constant 0 : i32
    %dma_wait3A_147 = tpu.memref_slice %arg8[%dma_wait3A_144, %dma_wait3A_146] : memref<4x80xi32, #tpu.memory_space<vmem>> -> memref<1x80xi32, #tpu.memory_space<vmem>>
    %dma_wait3A_148 = tpu.memref_squeeze %dma_wait3A_147 : memref<1x80xi32, #tpu.memory_space<vmem>> -> memref<80xi32, #tpu.memory_space<vmem>>
    %dma_wait3A_149 = arith.constant 0 : i32
    %dma_wait3A_150 = tpu.memref_slice %arg4[%dma_wait3A_149] : memref<320000xi32, #tpu.memory_space<hbm>> -> memref<80xi32, #tpu.memory_space<hbm>>
    %dma_wait3A_151 = tpu.memref_slice %arg13[%dma_wait3A_145] : memref<4x!tpu.dma_semaphore, #tpu.memory_space<semaphore_mem>> -> memref<1x!tpu.dma_semaphore, #tpu.memory_space<semaphore_mem>>
    %dma_wait3A_152 = tpu.memref_squeeze %dma_wait3A_151 : memref<1x!tpu.dma_semaphore, #tpu.memory_space<semaphore_mem>> -> memref<!tpu.dma_semaphore, #tpu.memory_space<semaphore_mem>>
    %dma_wait3A_153 = arith.constant 0 : i32
    %dma_wait3A_154 = tpu.memref_slice %arg8[%dma_wait3A_144, %dma_wait3A_153] : memref<4x80xi32, #tpu.memory_space<vmem>> -> memref<1x80xi32, #tpu.memory_space<vmem>>
    %dma_wait3A_155 = tpu.memref_squeeze %dma_wait3A_154 : memref<1x80xi32, #tpu.memory_space<vmem>> -> memref<80xi32, #tpu.memory_space<vmem>>
    %dma_wait3A_156 = arith.constant 0 : i32
    %dma_wait3A_157 = tpu.memref_slice %arg4[%dma_wait3A_156] : memref<320000xi32, #tpu.memory_space<hbm>> -> memref<80xi32, #tpu.memory_space<hbm>>
    tpu.wait_dma2 semaphore(%dma_wait3A_152 : memref<!tpu.dma_semaphore, #tpu.memory_space<semaphore_mem>>) src(%dma_wait3A_157 : memref<80xi32, #tpu.memory_space<hbm>>) dst(%dma_wait3A_155 : memref<80xi32, #tpu.memory_space<vmem>>)
    %dma_start3A_158 = arith.constant 1 : i32
    %dma_start3A_159 = arith.constant 1 : i32
    %dma_start3A_160 = arith.constant 1 : i32
    %dma_start3A_161 = arith.constant 0 : i32
    %dma_start3A_162 = arith.constant 0 : i32
    %dma_start3A_163 = tpu.memref_slice %arg10[%dma_start3A_159, %dma_start3A_161, %dma_start3A_162] : memref<4x80x128xf32, #tpu.memory_space<vmem>> -> memref<1x80x128xf32, #tpu.memory_space<vmem>>
    %dma_start3A_164 = tpu.memref_squeeze %dma_start3A_163 : memref<1x80x128xf32, #tpu.memory_space<vmem>> -> memref<80x128xf32, #tpu.memory_space<vmem>>
    %dma_start3A_165 = arith.constant 0 : i32
    %dma_start3A_166 = tpu.memref_slice %arg8[%dma_start3A_158, %dma_start3A_165] : memref<4x80xi32, #tpu.memory_space<vmem>> -> memref<1x80xi32, #tpu.memory_space<vmem>>
    %dma_start3A_167 = tpu.memref_squeeze %dma_start3A_166 : memref<1x80xi32, #tpu.memory_space<vmem>> -> memref<80xi32, #tpu.memory_space<vmem>>
    %dma_start3A_168 = arith.constant 0 : i32
    %dma_start3A_169 = arith.constant 0 : i32
    %dma_start3A_170 = tpu.memref_slice %arg2[%dma_start3A_168, %dma_start3A_169] : memref<10000x128xf32, #tpu.memory_space<hbm>> -> memref<10000x128xf32, #tpu.memory_space<hbm>>
    %dma_start3A_171 = tpu.memref_slice %arg11[%dma_start3A_160] : memref<4x!tpu.dma_semaphore, #tpu.memory_space<semaphore_mem>> -> memref<1x!tpu.dma_semaphore, #tpu.memory_space<semaphore_mem>>
    %dma_start3A_172 = tpu.memref_squeeze %dma_start3A_171 : memref<1x!tpu.dma_semaphore, #tpu.memory_space<semaphore_mem>> -> memref<!tpu.dma_semaphore, #tpu.memory_space<semaphore_mem>>
    tpu.enqueue_indirect_dma source(%dma_start3A_170 : memref<10000x128xf32, #tpu.memory_space<hbm>>) target(%dma_start3A_164 : memref<80x128xf32, #tpu.memory_space<vmem>>) offsets(%dma_start3A_167 : memref<80xi32, #tpu.memory_space<vmem>>) semaphore(%dma_start3A_172 : memref<!tpu.dma_semaphore, #tpu.memory_space<semaphore_mem>>)
    %dma_wait3A_173 = arith.constant 2 : i32
    %dma_wait3A_174 = arith.constant 2 : i32
    %dma_wait3A_175 = arith.constant 0 : i32
    %dma_wait3A_176 = tpu.memref_slice %arg8[%dma_wait3A_173, %dma_wait3A_175] : memref<4x80xi32, #tpu.memory_space<vmem>> -> memref<1x80xi32, #tpu.memory_space<vmem>>
    %dma_wait3A_177 = tpu.memref_squeeze %dma_wait3A_176 : memref<1x80xi32, #tpu.memory_space<vmem>> -> memref<80xi32, #tpu.memory_space<vmem>>
    %dma_wait3A_178 = arith.constant 0 : i32
    %dma_wait3A_179 = tpu.memref_slice %arg4[%dma_wait3A_178] : memref<320000xi32, #tpu.memory_space<hbm>> -> memref<80xi32, #tpu.memory_space<hbm>>
    %dma_wait3A_180 = tpu.memref_slice %arg13[%dma_wait3A_174] : memref<4x!tpu.dma_semaphore, #tpu.memory_space<semaphore_mem>> -> memref<1x!tpu.dma_semaphore, #tpu.memory_space<semaphore_mem>>
    %dma_wait3A_181 = tpu.memref_squeeze %dma_wait3A_180 : memref<1x!tpu.dma_semaphore, #tpu.memory_space<semaphore_mem>> -> memref<!tpu.dma_semaphore, #tpu.memory_space<semaphore_mem>>
    %dma_wait3A_182 = arith.constant 0 : i32
    %dma_wait3A_183 = tpu.memref_slice %arg8[%dma_wait3A_173, %dma_wait3A_182] : memref<4x80xi32, #tpu.memory_space<vmem>> -> memref<1x80xi32, #tpu.memory_space<vmem>>
    %dma_wait3A_184 = tpu.memref_squeeze %dma_wait3A_183 : memref<1x80xi32, #tpu.memory_space<vmem>> -> memref<80xi32, #tpu.memory_space<vmem>>
    %dma_wait3A_185 = arith.constant 0 : i32
    %dma_wait3A_186 = tpu.memref_slice %arg4[%dma_wait3A_185] : memref<320000xi32, #tpu.memory_space<hbm>> -> memref<80xi32, #tpu.memory_space<hbm>>
    tpu.wait_dma2 semaphore(%dma_wait3A_181 : memref<!tpu.dma_semaphore, #tpu.memory_space<semaphore_mem>>) src(%dma_wait3A_186 : memref<80xi32, #tpu.memory_space<hbm>>) dst(%dma_wait3A_184 : memref<80xi32, #tpu.memory_space<vmem>>)
    %dma_start3A_187 = arith.constant 2 : i32
    %dma_start3A_188 = arith.constant 2 : i32
    %dma_start3A_189 = arith.constant 2 : i32
    %dma_start3A_190 = arith.constant 0 : i32
    %dma_start3A_191 = arith.constant 0 : i32
    %dma_start3A_192 = tpu.memref_slice %arg10[%dma_start3A_188, %dma_start3A_190, %dma_start3A_191] : memref<4x80x128xf32, #tpu.memory_space<vmem>> -> memref<1x80x128xf32, #tpu.memory_space<vmem>>
    %dma_start3A_193 = tpu.memref_squeeze %dma_start3A_192 : memref<1x80x128xf32, #tpu.memory_space<vmem>> -> memref<80x128xf32, #tpu.memory_space<vmem>>
    %dma_start3A_194 = arith.constant 0 : i32
    %dma_start3A_195 = tpu.memref_slice %arg8[%dma_start3A_187, %dma_start3A_194] : memref<4x80xi32, #tpu.memory_space<vmem>> -> memref<1x80xi32, #tpu.memory_space<vmem>>
    %dma_start3A_196 = tpu.memref_squeeze %dma_start3A_195 : memref<1x80xi32, #tpu.memory_space<vmem>> -> memref<80xi32, #tpu.memory_space<vmem>>
    %dma_start3A_197 = arith.constant 0 : i32
    %dma_start3A_198 = arith.constant 0 : i32
    %dma_start3A_199 = tpu.memref_slice %arg2[%dma_start3A_197, %dma_start3A_198] : memref<10000x128xf32, #tpu.memory_space<hbm>> -> memref<10000x128xf32, #tpu.memory_space<hbm>>
    %dma_start3A_200 = tpu.memref_slice %arg11[%dma_start3A_189] : memref<4x!tpu.dma_semaphore, #tpu.memory_space<semaphore_mem>> -> memref<1x!tpu.dma_semaphore, #tpu.memory_space<semaphore_mem>>
    %dma_start3A_201 = tpu.memref_squeeze %dma_start3A_200 : memref<1x!tpu.dma_semaphore, #tpu.memory_space<semaphore_mem>> -> memref<!tpu.dma_semaphore, #tpu.memory_space<semaphore_mem>>
    tpu.enqueue_indirect_dma source(%dma_start3A_199 : memref<10000x128xf32, #tpu.memory_space<hbm>>) target(%dma_start3A_193 : memref<80x128xf32, #tpu.memory_space<vmem>>) offsets(%dma_start3A_196 : memref<80xi32, #tpu.memory_space<vmem>>) semaphore(%dma_start3A_201 : memref<!tpu.dma_semaphore, #tpu.memory_space<semaphore_mem>>)
    %dma_wait3A_202 = arith.constant 3 : i32
    %dma_wait3A_203 = arith.constant 3 : i32
    %dma_wait3A_204 = arith.constant 0 : i32
    %dma_wait3A_205 = tpu.memref_slice %arg8[%dma_wait3A_202, %dma_wait3A_204] : memref<4x80xi32, #tpu.memory_space<vmem>> -> memref<1x80xi32, #tpu.memory_space<vmem>>
    %dma_wait3A_206 = tpu.memref_squeeze %dma_wait3A_205 : memref<1x80xi32, #tpu.memory_space<vmem>> -> memref<80xi32, #tpu.memory_space<vmem>>
    %dma_wait3A_207 = arith.constant 0 : i32
    %dma_wait3A_208 = tpu.memref_slice %arg4[%dma_wait3A_207] : memref<320000xi32, #tpu.memory_space<hbm>> -> memref<80xi32, #tpu.memory_space<hbm>>
    %dma_wait3A_209 = tpu.memref_slice %arg13[%dma_wait3A_203] : memref<4x!tpu.dma_semaphore, #tpu.memory_space<semaphore_mem>> -> memref<1x!tpu.dma_semaphore, #tpu.memory_space<semaphore_mem>>
    %dma_wait3A_210 = tpu.memref_squeeze %dma_wait3A_209 : memref<1x!tpu.dma_semaphore, #tpu.memory_space<semaphore_mem>> -> memref<!tpu.dma_semaphore, #tpu.memory_space<semaphore_mem>>
    %dma_wait3A_211 = arith.constant 0 : i32
    %dma_wait3A_212 = tpu.memref_slice %arg8[%dma_wait3A_202, %dma_wait3A_211] : memref<4x80xi32, #tpu.memory_space<vmem>> -> memref<1x80xi32, #tpu.memory_space<vmem>>
    %dma_wait3A_213 = tpu.memref_squeeze %dma_wait3A_212 : memref<1x80xi32, #tpu.memory_space<vmem>> -> memref<80xi32, #tpu.memory_space<vmem>>
    %dma_wait3A_214 = arith.constant 0 : i32
    %dma_wait3A_215 = tpu.memref_slice %arg4[%dma_wait3A_214] : memref<320000xi32, #tpu.memory_space<hbm>> -> memref<80xi32, #tpu.memory_space<hbm>>
    tpu.wait_dma2 semaphore(%dma_wait3A_210 : memref<!tpu.dma_semaphore, #tpu.memory_space<semaphore_mem>>) src(%dma_wait3A_215 : memref<80xi32, #tpu.memory_space<hbm>>) dst(%dma_wait3A_213 : memref<80xi32, #tpu.memory_space<vmem>>)
    %dma_start3A_216 = arith.constant 3 : i32
    %dma_start3A_217 = arith.constant 3 : i32
    %dma_start3A_218 = arith.constant 3 : i32
    %dma_start3A_219 = arith.constant 0 : i32
    %dma_start3A_220 = arith.constant 0 : i32
    %dma_start3A_221 = tpu.memref_slice %arg10[%dma_start3A_217, %dma_start3A_219, %dma_start3A_220] : memref<4x80x128xf32, #tpu.memory_space<vmem>> -> memref<1x80x128xf32, #tpu.memory_space<vmem>>
    %dma_start3A_222 = tpu.memref_squeeze %dma_start3A_221 : memref<1x80x128xf32, #tpu.memory_space<vmem>> -> memref<80x128xf32, #tpu.memory_space<vmem>>
    %dma_start3A_223 = arith.constant 0 : i32
    %dma_start3A_224 = tpu.memref_slice %arg8[%dma_start3A_216, %dma_start3A_223] : memref<4x80xi32, #tpu.memory_space<vmem>> -> memref<1x80xi32, #tpu.memory_space<vmem>>
    %dma_start3A_225 = tpu.memref_squeeze %dma_start3A_224 : memref<1x80xi32, #tpu.memory_space<vmem>> -> memref<80xi32, #tpu.memory_space<vmem>>
    %dma_start3A_226 = arith.constant 0 : i32
    %dma_start3A_227 = arith.constant 0 : i32
    %dma_start3A_228 = tpu.memref_slice %arg2[%dma_start3A_226, %dma_start3A_227] : memref<10000x128xf32, #tpu.memory_space<hbm>> -> memref<10000x128xf32, #tpu.memory_space<hbm>>
    %dma_start3A_229 = tpu.memref_slice %arg11[%dma_start3A_218] : memref<4x!tpu.dma_semaphore, #tpu.memory_space<semaphore_mem>> -> memref<1x!tpu.dma_semaphore, #tpu.memory_space<semaphore_mem>>
    %dma_start3A_230 = tpu.memref_squeeze %dma_start3A_229 : memref<1x!tpu.dma_semaphore, #tpu.memory_space<semaphore_mem>> -> memref<!tpu.dma_semaphore, #tpu.memory_space<semaphore_mem>>
    tpu.enqueue_indirect_dma source(%dma_start3A_228 : memref<10000x128xf32, #tpu.memory_space<hbm>>) target(%dma_start3A_222 : memref<80x128xf32, #tpu.memory_space<vmem>>) offsets(%dma_start3A_225 : memref<80xi32, #tpu.memory_space<vmem>>) semaphore(%dma_start3A_230 : memref<!tpu.dma_semaphore, #tpu.memory_space<semaphore_mem>>)
    %scan3A = arith.constant 0 : i32
    %scan3A_231 = arith.constant 0 : i32
    %scan3A_232 = arith.constant 31 : i32
    %scan3A_233 = arith.addi %scan3A_231, %scan3A_232 : i32
    %scan3A_234 = arith.constant 1 : i32
    scf.for %scan3A_300 = %scan3A_231 to %scan3A_233 step %scan3A_234  : i32 {
      %mul3A_301 = arith.constant 4 : i32
      %mul3A_302 = arith.muli %scan3A_300, %mul3A_301 : i32
      %dma_wait3A_303 = arith.constant 0 : i32
      %dma_wait3A_304 = arith.constant 0 : i32
      %dma_wait3A_305 = arith.constant 0 : i32
      %dma_wait3A_306 = arith.constant 0 : i32
      %dma_wait3A_307 = arith.constant 0 : i32
      %dma_wait3A_308 = tpu.memref_slice %arg10[%dma_wait3A_304, %dma_wait3A_306, %dma_wait3A_307] : memref<4x80x128xf32, #tpu.memory_space<vmem>> -> memref<1x80x128xf32, #tpu.memory_space<vmem>>
      %dma_wait3A_309 = tpu.memref_squeeze %dma_wait3A_308 : memref<1x80x128xf32, #tpu.memory_space<vmem>> -> memref<80x128xf32, #tpu.memory_space<vmem>>
      %dma_wait3A_310 = arith.constant 0 : i32
      %dma_wait3A_311 = tpu.memref_slice %arg8[%dma_wait3A_303, %dma_wait3A_310] : memref<4x80xi32, #tpu.memory_space<vmem>> -> memref<1x80xi32, #tpu.memory_space<vmem>>
      %dma_wait3A_312 = tpu.memref_squeeze %dma_wait3A_311 : memref<1x80xi32, #tpu.memory_space<vmem>> -> memref<80xi32, #tpu.memory_space<vmem>>
      %dma_wait3A_313 = arith.constant 0 : i32
      %dma_wait3A_314 = arith.constant 0 : i32
      %dma_wait3A_315 = tpu.memref_slice %arg2[%dma_wait3A_313, %dma_wait3A_314] : memref<10000x128xf32, #tpu.memory_space<hbm>> -> memref<10000x128xf32, #tpu.memory_space<hbm>>
      %dma_wait3A_316 = tpu.memref_slice %arg11[%dma_wait3A_305] : memref<4x!tpu.dma_semaphore, #tpu.memory_space<semaphore_mem>> -> memref<1x!tpu.dma_semaphore, #tpu.memory_space<semaphore_mem>>
      %dma_wait3A_317 = tpu.memref_squeeze %dma_wait3A_316 : memref<1x!tpu.dma_semaphore, #tpu.memory_space<semaphore_mem>> -> memref<!tpu.dma_semaphore, #tpu.memory_space<semaphore_mem>>
      tpu.wait_indirect_dma semaphore(%dma_wait3A_317 : memref<!tpu.dma_semaphore, #tpu.memory_space<semaphore_mem>>) src(%dma_wait3A_315 : memref<10000x128xf32, #tpu.memory_space<hbm>>) dst(%dma_wait3A_309 : memref<80x128xf32, #tpu.memory_space<vmem>>)
      %dma_wait3A_318 = arith.constant 0 : i32
      %dma_wait3A_319 = arith.constant 0 : i32
      %dma_wait3A_320 = arith.constant 0 : i32
      %dma_wait3A_321 = tpu.memref_slice %arg9[%dma_wait3A_318, %dma_wait3A_320] : memref<4x80xi32, #tpu.memory_space<vmem>> -> memref<1x80xi32, #tpu.memory_space<vmem>>
      %dma_wait3A_322 = tpu.memref_squeeze %dma_wait3A_321 : memref<1x80xi32, #tpu.memory_space<vmem>> -> memref<80xi32, #tpu.memory_space<vmem>>
      %dma_wait3A_323 = arith.constant 0 : i32
      %dma_wait3A_324 = tpu.memref_slice %arg4[%dma_wait3A_323] : memref<320000xi32, #tpu.memory_space<hbm>> -> memref<80xi32, #tpu.memory_space<hbm>>
      %dma_wait3A_325 = tpu.memref_slice %arg14[%dma_wait3A_319] : memref<4x!tpu.dma_semaphore, #tpu.memory_space<semaphore_mem>> -> memref<1x!tpu.dma_semaphore, #tpu.memory_space<semaphore_mem>>
      %dma_wait3A_326 = tpu.memref_squeeze %dma_wait3A_325 : memref<1x!tpu.dma_semaphore, #tpu.memory_space<semaphore_mem>> -> memref<!tpu.dma_semaphore, #tpu.memory_space<semaphore_mem>>
      %dma_wait3A_327 = arith.constant 0 : i32
      %dma_wait3A_328 = tpu.memref_slice %arg9[%dma_wait3A_318, %dma_wait3A_327] : memref<4x80xi32, #tpu.memory_space<vmem>> -> memref<1x80xi32, #tpu.memory_space<vmem>>
      %dma_wait3A_329 = tpu.memref_squeeze %dma_wait3A_328 : memref<1x80xi32, #tpu.memory_space<vmem>> -> memref<80xi32, #tpu.memory_space<vmem>>
      %dma_wait3A_330 = arith.constant 0 : i32
      %dma_wait3A_331 = tpu.memref_slice %arg4[%dma_wait3A_330] : memref<320000xi32, #tpu.memory_space<hbm>> -> memref<80xi32, #tpu.memory_space<hbm>>
      tpu.wait_dma2 semaphore(%dma_wait3A_326 : memref<!tpu.dma_semaphore, #tpu.memory_space<semaphore_mem>>) src(%dma_wait3A_331 : memref<80xi32, #tpu.memory_space<hbm>>) dst(%dma_wait3A_329 : memref<80xi32, #tpu.memory_space<vmem>>)
      %dma_start3A_332 = arith.constant 0 : i32
      %dma_start3A_333 = arith.constant 0 : i32
      %dma_start3A_334 = arith.constant 0 : i32
      %dma_start3A_335 = arith.constant 0 : i32
      %dma_start3A_336 = arith.constant 0 : i32
      %dma_start3A_337 = tpu.memref_slice %arg10[%dma_start3A_332, %dma_start3A_335, %dma_start3A_336] : memref<4x80x128xf32, #tpu.memory_space<vmem>> -> memref<1x80x128xf32, #tpu.memory_space<vmem>>
      %dma_start3A_338 = tpu.memref_squeeze %dma_start3A_337 : memref<1x80x128xf32, #tpu.memory_space<vmem>> -> memref<80x128xf32, #tpu.memory_space<vmem>>
      %dma_start3A_339 = arith.constant 0 : i32
      %dma_start3A_340 = tpu.memref_slice %arg9[%dma_start3A_333, %dma_start3A_339] : memref<4x80xi32, #tpu.memory_space<vmem>> -> memref<1x80xi32, #tpu.memory_space<vmem>>
      %dma_start3A_341 = tpu.memref_squeeze %dma_start3A_340 : memref<1x80xi32, #tpu.memory_space<vmem>> -> memref<80xi32, #tpu.memory_space<vmem>>
      %dma_start3A_342 = arith.constant 0 : i32
      %dma_start3A_343 = arith.constant 0 : i32
      %dma_start3A_344 = tpu.memref_slice %arg7[%dma_start3A_342, %dma_start3A_343] : memref<10240x128xf32, #tpu.memory_space<vmem_shared>> -> memref<10240x128xf32, #tpu.memory_space<vmem_shared>>
      %dma_start3A_345 = tpu.memref_slice %arg12[%dma_start3A_334] : memref<4x!tpu.dma_semaphore, #tpu.memory_space<semaphore_mem>> -> memref<1x!tpu.dma_semaphore, #tpu.memory_space<semaphore_mem>>
      %dma_start3A_346 = tpu.memref_squeeze %dma_start3A_345 : memref<1x!tpu.dma_semaphore, #tpu.memory_space<semaphore_mem>> -> memref<!tpu.dma_semaphore, #tpu.memory_space<semaphore_mem>>
      tpu.enqueue_indirect_dma source(%dma_start3A_338 : memref<80x128xf32, #tpu.memory_space<vmem>>) target(%dma_start3A_344 : memref<10240x128xf32, #tpu.memory_space<vmem_shared>>) offsets(%dma_start3A_341 : memref<80xi32, #tpu.memory_space<vmem>>) semaphore(%dma_start3A_346 : memref<!tpu.dma_semaphore, #tpu.memory_space<semaphore_mem>>) {add = true}
      %add3A_347 = arith.constant 0 : i32
      %add3A_348 = arith.addi %mul3A_302, %add3A_347 : i32
      %add3A_349 = arith.constant 4 : i32
      %add3A_350 = arith.addi %add3A_348, %add3A_349 : i32
      %mul3A_351 = arith.constant 80 : i32
      %mul3A_352 = arith.muli %add3A_350, %mul3A_351 : i32
      %add3A_353 = arith.addi %mul3A_4, %mul3A_352 : i32
      %dma_start3A_354 = arith.constant 0 : i32
      %dma_start3A_355 = arith.constant 0 : i32
      %dma_start3A_356 = arith.constant 0 : i32
      %dma_start3A_357 = tpu.memref_slice %arg8[%dma_start3A_354, %dma_start3A_356] : memref<4x80xi32, #tpu.memory_space<vmem>> -> memref<1x80xi32, #tpu.memory_space<vmem>>
      %dma_start3A_358 = tpu.memref_squeeze %dma_start3A_357 : memref<1x80xi32, #tpu.memory_space<vmem>> -> memref<80xi32, #tpu.memory_space<vmem>>
      %dma_start3A_359 = tpu.memref_slice %arg3[%add3A_353] : memref<320000xi32, #tpu.memory_space<hbm>> -> memref<80xi32, #tpu.memory_space<hbm>>
      %dma_start3A_360 = tpu.memref_slice %arg13[%dma_start3A_355] : memref<4x!tpu.dma_semaphore, #tpu.memory_space<semaphore_mem>> -> memref<1x!tpu.dma_semaphore, #tpu.memory_space<semaphore_mem>>
      %dma_start3A_361 = tpu.memref_squeeze %dma_start3A_360 : memref<1x!tpu.dma_semaphore, #tpu.memory_space<semaphore_mem>> -> memref<!tpu.dma_semaphore, #tpu.memory_space<semaphore_mem>>
      %dma_start3A_362 = arith.constant 0 : i32
      %dma_start3A_363 = tpu.memref_slice %arg8[%dma_start3A_354, %dma_start3A_362] : memref<4x80xi32, #tpu.memory_space<vmem>> -> memref<1x80xi32, #tpu.memory_space<vmem>>
      %dma_start3A_364 = tpu.memref_squeeze %dma_start3A_363 : memref<1x80xi32, #tpu.memory_space<vmem>> -> memref<80xi32, #tpu.memory_space<vmem>>
      %dma_start3A_365 = tpu.memref_slice %arg3[%add3A_353] : memref<320000xi32, #tpu.memory_space<hbm>> -> memref<80xi32, #tpu.memory_space<hbm>>
      tpu.enqueue_dma source(%dma_start3A_365 : memref<80xi32, #tpu.memory_space<hbm>>) target(%dma_start3A_364 : memref<80xi32, #tpu.memory_space<vmem>>) target_semaphore(%dma_start3A_361 : memref<!tpu.dma_semaphore, #tpu.memory_space<semaphore_mem>>)
      %dma_wait3A_366 = arith.constant 1 : i32
      %dma_wait3A_367 = arith.constant 1 : i32
      %dma_wait3A_368 = arith.constant 1 : i32
      %dma_wait3A_369 = arith.constant 0 : i32
      %dma_wait3A_370 = arith.constant 0 : i32
      %dma_wait3A_371 = tpu.memref_slice %arg10[%dma_wait3A_367, %dma_wait3A_369, %dma_wait3A_370] : memref<4x80x128xf32, #tpu.memory_space<vmem>> -> memref<1x80x128xf32, #tpu.memory_space<vmem>>
      %dma_wait3A_372 = tpu.memref_squeeze %dma_wait3A_371 : memref<1x80x128xf32, #tpu.memory_space<vmem>> -> memref<80x128xf32, #tpu.memory_space<vmem>>
      %dma_wait3A_373 = arith.constant 0 : i32
      %dma_wait3A_374 = tpu.memref_slice %arg8[%dma_wait3A_366, %dma_wait3A_373] : memref<4x80xi32, #tpu.memory_space<vmem>> -> memref<1x80xi32, #tpu.memory_space<vmem>>
      %dma_wait3A_375 = tpu.memref_squeeze %dma_wait3A_374 : memref<1x80xi32, #tpu.memory_space<vmem>> -> memref<80xi32, #tpu.memory_space<vmem>>
      %dma_wait3A_376 = arith.constant 0 : i32
      %dma_wait3A_377 = arith.constant 0 : i32
      %dma_wait3A_378 = tpu.memref_slice %arg2[%dma_wait3A_376, %dma_wait3A_377] : memref<10000x128xf32, #tpu.memory_space<hbm>> -> memref<10000x128xf32, #tpu.memory_space<hbm>>
      %dma_wait3A_379 = tpu.memref_slice %arg11[%dma_wait3A_368] : memref<4x!tpu.dma_semaphore, #tpu.memory_space<semaphore_mem>> -> memref<1x!tpu.dma_semaphore, #tpu.memory_space<semaphore_mem>>
      %dma_wait3A_380 = tpu.memref_squeeze %dma_wait3A_379 : memref<1x!tpu.dma_semaphore, #tpu.memory_space<semaphore_mem>> -> memref<!tpu.dma_semaphore, #tpu.memory_space<semaphore_mem>>
      tpu.wait_indirect_dma semaphore(%dma_wait3A_380 : memref<!tpu.dma_semaphore, #tpu.memory_space<semaphore_mem>>) src(%dma_wait3A_378 : memref<10000x128xf32, #tpu.memory_space<hbm>>) dst(%dma_wait3A_372 : memref<80x128xf32, #tpu.memory_space<vmem>>)
      %dma_wait3A_381 = arith.constant 1 : i32
      %dma_wait3A_382 = arith.constant 1 : i32
      %dma_wait3A_383 = arith.constant 0 : i32
      %dma_wait3A_384 = tpu.memref_slice %arg9[%dma_wait3A_381, %dma_wait3A_383] : memref<4x80xi32, #tpu.memory_space<vmem>> -> memref<1x80xi32, #tpu.memory_space<vmem>>
      %dma_wait3A_385 = tpu.memref_squeeze %dma_wait3A_384 : memref<1x80xi32, #tpu.memory_space<vmem>> -> memref<80xi32, #tpu.memory_space<vmem>>
      %dma_wait3A_386 = arith.constant 0 : i32
      %dma_wait3A_387 = tpu.memref_slice %arg4[%dma_wait3A_386] : memref<320000xi32, #tpu.memory_space<hbm>> -> memref<80xi32, #tpu.memory_space<hbm>>
      %dma_wait3A_388 = tpu.memref_slice %arg14[%dma_wait3A_382] : memref<4x!tpu.dma_semaphore, #tpu.memory_space<semaphore_mem>> -> memref<1x!tpu.dma_semaphore, #tpu.memory_space<semaphore_mem>>
      %dma_wait3A_389 = tpu.memref_squeeze %dma_wait3A_388 : memref<1x!tpu.dma_semaphore, #tpu.memory_space<semaphore_mem>> -> memref<!tpu.dma_semaphore, #tpu.memory_space<semaphore_mem>>
      %dma_wait3A_390 = arith.constant 0 : i32
      %dma_wait3A_391 = tpu.memref_slice %arg9[%dma_wait3A_381, %dma_wait3A_390] : memref<4x80xi32, #tpu.memory_space<vmem>> -> memref<1x80xi32, #tpu.memory_space<vmem>>
      %dma_wait3A_392 = tpu.memref_squeeze %dma_wait3A_391 : memref<1x80xi32, #tpu.memory_space<vmem>> -> memref<80xi32, #tpu.memory_space<vmem>>
      %dma_wait3A_393 = arith.constant 0 : i32
      %dma_wait3A_394 = tpu.memref_slice %arg4[%dma_wait3A_393] : memref<320000xi32, #tpu.memory_space<hbm>> -> memref<80xi32, #tpu.memory_space<hbm>>
      tpu.wait_dma2 semaphore(%dma_wait3A_389 : memref<!tpu.dma_semaphore, #tpu.memory_space<semaphore_mem>>) src(%dma_wait3A_394 : memref<80xi32, #tpu.memory_space<hbm>>) dst(%dma_wait3A_392 : memref<80xi32, #tpu.memory_space<vmem>>)
      %dma_start3A_395 = arith.constant 1 : i32
      %dma_start3A_396 = arith.constant 1 : i32
      %dma_start3A_397 = arith.constant 1 : i32
      %dma_start3A_398 = arith.constant 0 : i32
      %dma_start3A_399 = arith.constant 0 : i32
      %dma_start3A_400 = tpu.memref_slice %arg10[%dma_start3A_395, %dma_start3A_398, %dma_start3A_399] : memref<4x80x128xf32, #tpu.memory_space<vmem>> -> memref<1x80x128xf32, #tpu.memory_space<vmem>>
      %dma_start3A_401 = tpu.memref_squeeze %dma_start3A_400 : memref<1x80x128xf32, #tpu.memory_space<vmem>> -> memref<80x128xf32, #tpu.memory_space<vmem>>
      %dma_start3A_402 = arith.constant 0 : i32
      %dma_start3A_403 = tpu.memref_slice %arg9[%dma_start3A_396, %dma_start3A_402] : memref<4x80xi32, #tpu.memory_space<vmem>> -> memref<1x80xi32, #tpu.memory_space<vmem>>
      %dma_start3A_404 = tpu.memref_squeeze %dma_start3A_403 : memref<1x80xi32, #tpu.memory_space<vmem>> -> memref<80xi32, #tpu.memory_space<vmem>>
      %dma_start3A_405 = arith.constant 0 : i32
      %dma_start3A_406 = arith.constant 0 : i32
      %dma_start3A_407 = tpu.memref_slice %arg7[%dma_start3A_405, %dma_start3A_406] : memref<10240x128xf32, #tpu.memory_space<vmem_shared>> -> memref<10240x128xf32, #tpu.memory_space<vmem_shared>>
      %dma_start3A_408 = tpu.memref_slice %arg12[%dma_start3A_397] : memref<4x!tpu.dma_semaphore, #tpu.memory_space<semaphore_mem>> -> memref<1x!tpu.dma_semaphore, #tpu.memory_space<semaphore_mem>>
      %dma_start3A_409 = tpu.memref_squeeze %dma_start3A_408 : memref<1x!tpu.dma_semaphore, #tpu.memory_space<semaphore_mem>> -> memref<!tpu.dma_semaphore, #tpu.memory_space<semaphore_mem>>
      tpu.enqueue_indirect_dma source(%dma_start3A_401 : memref<80x128xf32, #tpu.memory_space<vmem>>) target(%dma_start3A_407 : memref<10240x128xf32, #tpu.memory_space<vmem_shared>>) offsets(%dma_start3A_404 : memref<80xi32, #tpu.memory_space<vmem>>) semaphore(%dma_start3A_409 : memref<!tpu.dma_semaphore, #tpu.memory_space<semaphore_mem>>) {add = true}
      %lt3A = arith.constant 30 : i32
      %lt3A_410 = arith.cmpi slt, %scan3A_300, %lt3A : i32
      %add3A_411 = arith.constant 1 : i32
      %add3A_412 = arith.addi %mul3A_302, %add3A_411 : i32
      %add3A_413 = arith.constant 4 : i32
      %add3A_414 = arith.addi %add3A_412, %add3A_413 : i32
      %convert_element_type3A = arith.extui %lt3A_410 : i1 to i32
      %cond3A = arith.constant 0 : i32
      %cond3A_415 = arith.cmpi ne, %convert_element_type3A, %cond3A : i32
      scf.if %cond3A_415 {
        %mul3A_657 = arith.constant 80 : i32
        %mul3A_658 = arith.muli %add3A_414, %mul3A_657 : i32
        %add3A_659 = arith.addi %mul3A_4, %mul3A_658 : i32
        %dma_start3A_660 = arith.constant 1 : i32
        %dma_start3A_661 = arith.constant 1 : i32
        %dma_start3A_662 = arith.constant 0 : i32
        %dma_start3A_663 = tpu.memref_slice %arg8[%dma_start3A_660, %dma_start3A_662] : memref<4x80xi32, #tpu.memory_space<vmem>> -> memref<1x80xi32, #tpu.memory_space<vmem>>
        %dma_start3A_664 = tpu.memref_squeeze %dma_start3A_663 : memref<1x80xi32, #tpu.memory_space<vmem>> -> memref<80xi32, #tpu.memory_space<vmem>>
        %dma_start3A_665 = tpu.memref_slice %arg3[%add3A_659] : memref<320000xi32, #tpu.memory_space<hbm>> -> memref<80xi32, #tpu.memory_space<hbm>>
        %dma_start3A_666 = tpu.memref_slice %arg13[%dma_start3A_661] : memref<4x!tpu.dma_semaphore, #tpu.memory_space<semaphore_mem>> -> memref<1x!tpu.dma_semaphore, #tpu.memory_space<semaphore_mem>>
        %dma_start3A_667 = tpu.memref_squeeze %dma_start3A_666 : memref<1x!tpu.dma_semaphore, #tpu.memory_space<semaphore_mem>> -> memref<!tpu.dma_semaphore, #tpu.memory_space<semaphore_mem>>
        %dma_start3A_668 = arith.constant 0 : i32
        %dma_start3A_669 = tpu.memref_slice %arg8[%dma_start3A_660, %dma_start3A_668] : memref<4x80xi32, #tpu.memory_space<vmem>> -> memref<1x80xi32, #tpu.memory_space<vmem>>
        %dma_start3A_670 = tpu.memref_squeeze %dma_start3A_669 : memref<1x80xi32, #tpu.memory_space<vmem>> -> memref<80xi32, #tpu.memory_space<vmem>>
        %dma_start3A_671 = tpu.memref_slice %arg3[%add3A_659] : memref<320000xi32, #tpu.memory_space<hbm>> -> memref<80xi32, #tpu.memory_space<hbm>>
        tpu.enqueue_dma source(%dma_start3A_671 : memref<80xi32, #tpu.memory_space<hbm>>) target(%dma_start3A_670 : memref<80xi32, #tpu.memory_space<vmem>>) target_semaphore(%dma_start3A_667 : memref<!tpu.dma_semaphore, #tpu.memory_space<semaphore_mem>>)
      } else {
      }
      %dma_wait3A_416 = arith.constant 2 : i32
      %dma_wait3A_417 = arith.constant 2 : i32
      %dma_wait3A_418 = arith.constant 2 : i32
      %dma_wait3A_419 = arith.constant 0 : i32
      %dma_wait3A_420 = arith.constant 0 : i32
      %dma_wait3A_421 = tpu.memref_slice %arg10[%dma_wait3A_417, %dma_wait3A_419, %dma_wait3A_420] : memref<4x80x128xf32, #tpu.memory_space<vmem>> -> memref<1x80x128xf32, #tpu.memory_space<vmem>>
      %dma_wait3A_422 = tpu.memref_squeeze %dma_wait3A_421 : memref<1x80x128xf32, #tpu.memory_space<vmem>> -> memref<80x128xf32, #tpu.memory_space<vmem>>
      %dma_wait3A_423 = arith.constant 0 : i32
      %dma_wait3A_424 = tpu.memref_slice %arg8[%dma_wait3A_416, %dma_wait3A_423] : memref<4x80xi32, #tpu.memory_space<vmem>> -> memref<1x80xi32, #tpu.memory_space<vmem>>
      %dma_wait3A_425 = tpu.memref_squeeze %dma_wait3A_424 : memref<1x80xi32, #tpu.memory_space<vmem>> -> memref<80xi32, #tpu.memory_space<vmem>>
      %dma_wait3A_426 = arith.constant 0 : i32
      %dma_wait3A_427 = arith.constant 0 : i32
      %dma_wait3A_428 = tpu.memref_slice %arg2[%dma_wait3A_426, %dma_wait3A_427] : memref<10000x128xf32, #tpu.memory_space<hbm>> -> memref<10000x128xf32, #tpu.memory_space<hbm>>
      %dma_wait3A_429 = tpu.memref_slice %arg11[%dma_wait3A_418] : memref<4x!tpu.dma_semaphore, #tpu.memory_space<semaphore_mem>> -> memref<1x!tpu.dma_semaphore, #tpu.memory_space<semaphore_mem>>
      %dma_wait3A_430 = tpu.memref_squeeze %dma_wait3A_429 : memref<1x!tpu.dma_semaphore, #tpu.memory_space<semaphore_mem>> -> memref<!tpu.dma_semaphore, #tpu.memory_space<semaphore_mem>>
      tpu.wait_indirect_dma semaphore(%dma_wait3A_430 : memref<!tpu.dma_semaphore, #tpu.memory_space<semaphore_mem>>) src(%dma_wait3A_428 : memref<10000x128xf32, #tpu.memory_space<hbm>>) dst(%dma_wait3A_422 : memref<80x128xf32, #tpu.memory_space<vmem>>)
      %dma_wait3A_431 = arith.constant 2 : i32
      %dma_wait3A_432 = arith.constant 2 : i32
      %dma_wait3A_433 = arith.constant 0 : i32
      %dma_wait3A_434 = tpu.memref_slice %arg9[%dma_wait3A_431, %dma_wait3A_433] : memref<4x80xi32, #tpu.memory_space<vmem>> -> memref<1x80xi32, #tpu.memory_space<vmem>>
      %dma_wait3A_435 = tpu.memref_squeeze %dma_wait3A_434 : memref<1x80xi32, #tpu.memory_space<vmem>> -> memref<80xi32, #tpu.memory_space<vmem>>
      %dma_wait3A_436 = arith.constant 0 : i32
      %dma_wait3A_437 = tpu.memref_slice %arg4[%dma_wait3A_436] : memref<320000xi32, #tpu.memory_space<hbm>> -> memref<80xi32, #tpu.memory_space<hbm>>
      %dma_wait3A_438 = tpu.memref_slice %arg14[%dma_wait3A_432] : memref<4x!tpu.dma_semaphore, #tpu.memory_space<semaphore_mem>> -> memref<1x!tpu.dma_semaphore, #tpu.memory_space<semaphore_mem>>
      %dma_wait3A_439 = tpu.memref_squeeze %dma_wait3A_438 : memref<1x!tpu.dma_semaphore, #tpu.memory_space<semaphore_mem>> -> memref<!tpu.dma_semaphore, #tpu.memory_space<semaphore_mem>>
      %dma_wait3A_440 = arith.constant 0 : i32
      %dma_wait3A_441 = tpu.memref_slice %arg9[%dma_wait3A_431, %dma_wait3A_440] : memref<4x80xi32, #tpu.memory_space<vmem>> -> memref<1x80xi32, #tpu.memory_space<vmem>>
      %dma_wait3A_442 = tpu.memref_squeeze %dma_wait3A_441 : memref<1x80xi32, #tpu.memory_space<vmem>> -> memref<80xi32, #tpu.memory_space<vmem>>
      %dma_wait3A_443 = arith.constant 0 : i32
      %dma_wait3A_444 = tpu.memref_slice %arg4[%dma_wait3A_443] : memref<320000xi32, #tpu.memory_space<hbm>> -> memref<80xi32, #tpu.memory_space<hbm>>
      tpu.wait_dma2 semaphore(%dma_wait3A_439 : memref<!tpu.dma_semaphore, #tpu.memory_space<semaphore_mem>>) src(%dma_wait3A_444 : memref<80xi32, #tpu.memory_space<hbm>>) dst(%dma_wait3A_442 : memref<80xi32, #tpu.memory_space<vmem>>)
      %dma_start3A_445 = arith.constant 2 : i32
      %dma_start3A_446 = arith.constant 2 : i32
      %dma_start3A_447 = arith.constant 2 : i32
      %dma_start3A_448 = arith.constant 0 : i32
      %dma_start3A_449 = arith.constant 0 : i32
      %dma_start3A_450 = tpu.memref_slice %arg10[%dma_start3A_445, %dma_start3A_448, %dma_start3A_449] : memref<4x80x128xf32, #tpu.memory_space<vmem>> -> memref<1x80x128xf32, #tpu.memory_space<vmem>>
      %dma_start3A_451 = tpu.memref_squeeze %dma_start3A_450 : memref<1x80x128xf32, #tpu.memory_space<vmem>> -> memref<80x128xf32, #tpu.memory_space<vmem>>
      %dma_start3A_452 = arith.constant 0 : i32
      %dma_start3A_453 = tpu.memref_slice %arg9[%dma_start3A_446, %dma_start3A_452] : memref<4x80xi32, #tpu.memory_space<vmem>> -> memref<1x80xi32, #tpu.memory_space<vmem>>
      %dma_start3A_454 = tpu.memref_squeeze %dma_start3A_453 : memref<1x80xi32, #tpu.memory_space<vmem>> -> memref<80xi32, #tpu.memory_space<vmem>>
      %dma_start3A_455 = arith.constant 0 : i32
      %dma_start3A_456 = arith.constant 0 : i32
      %dma_start3A_457 = tpu.memref_slice %arg7[%dma_start3A_455, %dma_start3A_456] : memref<10240x128xf32, #tpu.memory_space<vmem_shared>> -> memref<10240x128xf32, #tpu.memory_space<vmem_shared>>
      %dma_start3A_458 = tpu.memref_slice %arg12[%dma_start3A_447] : memref<4x!tpu.dma_semaphore, #tpu.memory_space<semaphore_mem>> -> memref<1x!tpu.dma_semaphore, #tpu.memory_space<semaphore_mem>>
      %dma_start3A_459 = tpu.memref_squeeze %dma_start3A_458 : memref<1x!tpu.dma_semaphore, #tpu.memory_space<semaphore_mem>> -> memref<!tpu.dma_semaphore, #tpu.memory_space<semaphore_mem>>
      tpu.enqueue_indirect_dma source(%dma_start3A_451 : memref<80x128xf32, #tpu.memory_space<vmem>>) target(%dma_start3A_457 : memref<10240x128xf32, #tpu.memory_space<vmem_shared>>) offsets(%dma_start3A_454 : memref<80xi32, #tpu.memory_space<vmem>>) semaphore(%dma_start3A_459 : memref<!tpu.dma_semaphore, #tpu.memory_space<semaphore_mem>>) {add = true}
      %lt3A_460 = arith.constant 30 : i32
      %lt3A_461 = arith.cmpi slt, %scan3A_300, %lt3A_460 : i32
      %add3A_462 = arith.constant 2 : i32
      %add3A_463 = arith.addi %mul3A_302, %add3A_462 : i32
      %add3A_464 = arith.constant 4 : i32
      %add3A_465 = arith.addi %add3A_463, %add3A_464 : i32
      %convert_element_type3A_466 = arith.extui %lt3A_461 : i1 to i32
      %cond3A_467 = arith.constant 0 : i32
      %cond3A_468 = arith.cmpi ne, %convert_element_type3A_466, %cond3A_467 : i32
      scf.if %cond3A_468 {
        %mul3A_657 = arith.constant 80 : i32
        %mul3A_658 = arith.muli %add3A_465, %mul3A_657 : i32
        %add3A_659 = arith.addi %mul3A_4, %mul3A_658 : i32
        %dma_start3A_660 = arith.constant 2 : i32
        %dma_start3A_661 = arith.constant 2 : i32
        %dma_start3A_662 = arith.constant 0 : i32
        %dma_start3A_663 = tpu.memref_slice %arg8[%dma_start3A_660, %dma_start3A_662] : memref<4x80xi32, #tpu.memory_space<vmem>> -> memref<1x80xi32, #tpu.memory_space<vmem>>
        %dma_start3A_664 = tpu.memref_squeeze %dma_start3A_663 : memref<1x80xi32, #tpu.memory_space<vmem>> -> memref<80xi32, #tpu.memory_space<vmem>>
        %dma_start3A_665 = tpu.memref_slice %arg3[%add3A_659] : memref<320000xi32, #tpu.memory_space<hbm>> -> memref<80xi32, #tpu.memory_space<hbm>>
        %dma_start3A_666 = tpu.memref_slice %arg13[%dma_start3A_661] : memref<4x!tpu.dma_semaphore, #tpu.memory_space<semaphore_mem>> -> memref<1x!tpu.dma_semaphore, #tpu.memory_space<semaphore_mem>>
        %dma_start3A_667 = tpu.memref_squeeze %dma_start3A_666 : memref<1x!tpu.dma_semaphore, #tpu.memory_space<semaphore_mem>> -> memref<!tpu.dma_semaphore, #tpu.memory_space<semaphore_mem>>
        %dma_start3A_668 = arith.constant 0 : i32
        %dma_start3A_669 = tpu.memref_slice %arg8[%dma_start3A_660, %dma_start3A_668] : memref<4x80xi32, #tpu.memory_space<vmem>> -> memref<1x80xi32, #tpu.memory_space<vmem>>
        %dma_start3A_670 = tpu.memref_squeeze %dma_start3A_669 : memref<1x80xi32, #tpu.memory_space<vmem>> -> memref<80xi32, #tpu.memory_space<vmem>>
        %dma_start3A_671 = tpu.memref_slice %arg3[%add3A_659] : memref<320000xi32, #tpu.memory_space<hbm>> -> memref<80xi32, #tpu.memory_space<hbm>>
        tpu.enqueue_dma source(%dma_start3A_671 : memref<80xi32, #tpu.memory_space<hbm>>) target(%dma_start3A_670 : memref<80xi32, #tpu.memory_space<vmem>>) target_semaphore(%dma_start3A_667 : memref<!tpu.dma_semaphore, #tpu.memory_space<semaphore_mem>>)
      } else {
      }
      %dma_wait3A_469 = arith.constant 3 : i32
      %dma_wait3A_470 = arith.constant 3 : i32
      %dma_wait3A_471 = arith.constant 3 : i32
      %dma_wait3A_472 = arith.constant 0 : i32
      %dma_wait3A_473 = arith.constant 0 : i32
      %dma_wait3A_474 = tpu.memref_slice %arg10[%dma_wait3A_470, %dma_wait3A_472, %dma_wait3A_473] : memref<4x80x128xf32, #tpu.memory_space<vmem>> -> memref<1x80x128xf32, #tpu.memory_space<vmem>>
      %dma_wait3A_475 = tpu.memref_squeeze %dma_wait3A_474 : memref<1x80x128xf32, #tpu.memory_space<vmem>> -> memref<80x128xf32, #tpu.memory_space<vmem>>
      %dma_wait3A_476 = arith.constant 0 : i32
      %dma_wait3A_477 = tpu.memref_slice %arg8[%dma_wait3A_469, %dma_wait3A_476] : memref<4x80xi32, #tpu.memory_space<vmem>> -> memref<1x80xi32, #tpu.memory_space<vmem>>
      %dma_wait3A_478 = tpu.memref_squeeze %dma_wait3A_477 : memref<1x80xi32, #tpu.memory_space<vmem>> -> memref<80xi32, #tpu.memory_space<vmem>>
      %dma_wait3A_479 = arith.constant 0 : i32
      %dma_wait3A_480 = arith.constant 0 : i32
      %dma_wait3A_481 = tpu.memref_slice %arg2[%dma_wait3A_479, %dma_wait3A_480] : memref<10000x128xf32, #tpu.memory_space<hbm>> -> memref<10000x128xf32, #tpu.memory_space<hbm>>
      %dma_wait3A_482 = tpu.memref_slice %arg11[%dma_wait3A_471] : memref<4x!tpu.dma_semaphore, #tpu.memory_space<semaphore_mem>> -> memref<1x!tpu.dma_semaphore, #tpu.memory_space<semaphore_mem>>
      %dma_wait3A_483 = tpu.memref_squeeze %dma_wait3A_482 : memref<1x!tpu.dma_semaphore, #tpu.memory_space<semaphore_mem>> -> memref<!tpu.dma_semaphore, #tpu.memory_space<semaphore_mem>>
      tpu.wait_indirect_dma semaphore(%dma_wait3A_483 : memref<!tpu.dma_semaphore, #tpu.memory_space<semaphore_mem>>) src(%dma_wait3A_481 : memref<10000x128xf32, #tpu.memory_space<hbm>>) dst(%dma_wait3A_475 : memref<80x128xf32, #tpu.memory_space<vmem>>)
      %dma_wait3A_484 = arith.constant 3 : i32
      %dma_wait3A_485 = arith.constant 3 : i32
      %dma_wait3A_486 = arith.constant 0 : i32
      %dma_wait3A_487 = tpu.memref_slice %arg9[%dma_wait3A_484, %dma_wait3A_486] : memref<4x80xi32, #tpu.memory_space<vmem>> -> memref<1x80xi32, #tpu.memory_space<vmem>>
      %dma_wait3A_488 = tpu.memref_squeeze %dma_wait3A_487 : memref<1x80xi32, #tpu.memory_space<vmem>> -> memref<80xi32, #tpu.memory_space<vmem>>
      %dma_wait3A_489 = arith.constant 0 : i32
      %dma_wait3A_490 = tpu.memref_slice %arg4[%dma_wait3A_489] : memref<320000xi32, #tpu.memory_space<hbm>> -> memref<80xi32, #tpu.memory_space<hbm>>
      %dma_wait3A_491 = tpu.memref_slice %arg14[%dma_wait3A_485] : memref<4x!tpu.dma_semaphore, #tpu.memory_space<semaphore_mem>> -> memref<1x!tpu.dma_semaphore, #tpu.memory_space<semaphore_mem>>
      %dma_wait3A_492 = tpu.memref_squeeze %dma_wait3A_491 : memref<1x!tpu.dma_semaphore, #tpu.memory_space<semaphore_mem>> -> memref<!tpu.dma_semaphore, #tpu.memory_space<semaphore_mem>>
      %dma_wait3A_493 = arith.constant 0 : i32
      %dma_wait3A_494 = tpu.memref_slice %arg9[%dma_wait3A_484, %dma_wait3A_493] : memref<4x80xi32, #tpu.memory_space<vmem>> -> memref<1x80xi32, #tpu.memory_space<vmem>>
      %dma_wait3A_495 = tpu.memref_squeeze %dma_wait3A_494 : memref<1x80xi32, #tpu.memory_space<vmem>> -> memref<80xi32, #tpu.memory_space<vmem>>
      %dma_wait3A_496 = arith.constant 0 : i32
      %dma_wait3A_497 = tpu.memref_slice %arg4[%dma_wait3A_496] : memref<320000xi32, #tpu.memory_space<hbm>> -> memref<80xi32, #tpu.memory_space<hbm>>
      tpu.wait_dma2 semaphore(%dma_wait3A_492 : memref<!tpu.dma_semaphore, #tpu.memory_space<semaphore_mem>>) src(%dma_wait3A_497 : memref<80xi32, #tpu.memory_space<hbm>>) dst(%dma_wait3A_495 : memref<80xi32, #tpu.memory_space<vmem>>)
      %dma_start3A_498 = arith.constant 3 : i32
      %dma_start3A_499 = arith.constant 3 : i32
      %dma_start3A_500 = arith.constant 3 : i32
      %dma_start3A_501 = arith.constant 0 : i32
      %dma_start3A_502 = arith.constant 0 : i32
      %dma_start3A_503 = tpu.memref_slice %arg10[%dma_start3A_498, %dma_start3A_501, %dma_start3A_502] : memref<4x80x128xf32, #tpu.memory_space<vmem>> -> memref<1x80x128xf32, #tpu.memory_space<vmem>>
      %dma_start3A_504 = tpu.memref_squeeze %dma_start3A_503 : memref<1x80x128xf32, #tpu.memory_space<vmem>> -> memref<80x128xf32, #tpu.memory_space<vmem>>
      %dma_start3A_505 = arith.constant 0 : i32
      %dma_start3A_506 = tpu.memref_slice %arg9[%dma_start3A_499, %dma_start3A_505] : memref<4x80xi32, #tpu.memory_space<vmem>> -> memref<1x80xi32, #tpu.memory_space<vmem>>
      %dma_start3A_507 = tpu.memref_squeeze %dma_start3A_506 : memref<1x80xi32, #tpu.memory_space<vmem>> -> memref<80xi32, #tpu.memory_space<vmem>>
      %dma_start3A_508 = arith.constant 0 : i32
      %dma_start3A_509 = arith.constant 0 : i32
      %dma_start3A_510 = tpu.memref_slice %arg7[%dma_start3A_508, %dma_start3A_509] : memref<10240x128xf32, #tpu.memory_space<vmem_shared>> -> memref<10240x128xf32, #tpu.memory_space<vmem_shared>>
      %dma_start3A_511 = tpu.memref_slice %arg12[%dma_start3A_500] : memref<4x!tpu.dma_semaphore, #tpu.memory_space<semaphore_mem>> -> memref<1x!tpu.dma_semaphore, #tpu.memory_space<semaphore_mem>>
      %dma_start3A_512 = tpu.memref_squeeze %dma_start3A_511 : memref<1x!tpu.dma_semaphore, #tpu.memory_space<semaphore_mem>> -> memref<!tpu.dma_semaphore, #tpu.memory_space<semaphore_mem>>
      tpu.enqueue_indirect_dma source(%dma_start3A_504 : memref<80x128xf32, #tpu.memory_space<vmem>>) target(%dma_start3A_510 : memref<10240x128xf32, #tpu.memory_space<vmem_shared>>) offsets(%dma_start3A_507 : memref<80xi32, #tpu.memory_space<vmem>>) semaphore(%dma_start3A_512 : memref<!tpu.dma_semaphore, #tpu.memory_space<semaphore_mem>>) {add = true}
      %lt3A_513 = arith.constant 30 : i32
      %lt3A_514 = arith.cmpi slt, %scan3A_300, %lt3A_513 : i32
      %add3A_515 = arith.constant 3 : i32
      %add3A_516 = arith.addi %mul3A_302, %add3A_515 : i32
      %add3A_517 = arith.constant 4 : i32
      %add3A_518 = arith.addi %add3A_516, %add3A_517 : i32
      %convert_element_type3A_519 = arith.extui %lt3A_514 : i1 to i32
      %cond3A_520 = arith.constant 0 : i32
      %cond3A_521 = arith.cmpi ne, %convert_element_type3A_519, %cond3A_520 : i32
      scf.if %cond3A_521 {
        %mul3A_657 = arith.constant 80 : i32
        %mul3A_658 = arith.muli %add3A_518, %mul3A_657 : i32
        %add3A_659 = arith.addi %mul3A_4, %mul3A_658 : i32
        %dma_start3A_660 = arith.constant 3 : i32
        %dma_start3A_661 = arith.constant 3 : i32
        %dma_start3A_662 = arith.constant 0 : i32
        %dma_start3A_663 = tpu.memref_slice %arg8[%dma_start3A_660, %dma_start3A_662] : memref<4x80xi32, #tpu.memory_space<vmem>> -> memref<1x80xi32, #tpu.memory_space<vmem>>
        %dma_start3A_664 = tpu.memref_squeeze %dma_start3A_663 : memref<1x80xi32, #tpu.memory_space<vmem>> -> memref<80xi32, #tpu.memory_space<vmem>>
        %dma_start3A_665 = tpu.memref_slice %arg3[%add3A_659] : memref<320000xi32, #tpu.memory_space<hbm>> -> memref<80xi32, #tpu.memory_space<hbm>>
        %dma_start3A_666 = tpu.memref_slice %arg13[%dma_start3A_661] : memref<4x!tpu.dma_semaphore, #tpu.memory_space<semaphore_mem>> -> memref<1x!tpu.dma_semaphore, #tpu.memory_space<semaphore_mem>>
        %dma_start3A_667 = tpu.memref_squeeze %dma_start3A_666 : memref<1x!tpu.dma_semaphore, #tpu.memory_space<semaphore_mem>> -> memref<!tpu.dma_semaphore, #tpu.memory_space<semaphore_mem>>
        %dma_start3A_668 = arith.constant 0 : i32
        %dma_start3A_669 = tpu.memref_slice %arg8[%dma_start3A_660, %dma_start3A_668] : memref<4x80xi32, #tpu.memory_space<vmem>> -> memref<1x80xi32, #tpu.memory_space<vmem>>
        %dma_start3A_670 = tpu.memref_squeeze %dma_start3A_669 : memref<1x80xi32, #tpu.memory_space<vmem>> -> memref<80xi32, #tpu.memory_space<vmem>>
        %dma_start3A_671 = tpu.memref_slice %arg3[%add3A_659] : memref<320000xi32, #tpu.memory_space<hbm>> -> memref<80xi32, #tpu.memory_space<hbm>>
        tpu.enqueue_dma source(%dma_start3A_671 : memref<80xi32, #tpu.memory_space<hbm>>) target(%dma_start3A_670 : memref<80xi32, #tpu.memory_space<vmem>>) target_semaphore(%dma_start3A_667 : memref<!tpu.dma_semaphore, #tpu.memory_space<semaphore_mem>>)
      } else {
      }
      %dma_wait3A_522 = arith.constant 0 : i32
      %dma_wait3A_523 = arith.constant 0 : i32
      %dma_wait3A_524 = arith.constant 0 : i32
      %dma_wait3A_525 = arith.constant 0 : i32
      %dma_wait3A_526 = arith.constant 0 : i32
      %dma_wait3A_527 = tpu.memref_slice %arg10[%dma_wait3A_522, %dma_wait3A_525, %dma_wait3A_526] : memref<4x80x128xf32, #tpu.memory_space<vmem>> -> memref<1x80x128xf32, #tpu.memory_space<vmem>>
      %dma_wait3A_528 = tpu.memref_squeeze %dma_wait3A_527 : memref<1x80x128xf32, #tpu.memory_space<vmem>> -> memref<80x128xf32, #tpu.memory_space<vmem>>
      %dma_wait3A_529 = arith.constant 0 : i32
      %dma_wait3A_530 = tpu.memref_slice %arg9[%dma_wait3A_523, %dma_wait3A_529] : memref<4x80xi32, #tpu.memory_space<vmem>> -> memref<1x80xi32, #tpu.memory_space<vmem>>
      %dma_wait3A_531 = tpu.memref_squeeze %dma_wait3A_530 : memref<1x80xi32, #tpu.memory_space<vmem>> -> memref<80xi32, #tpu.memory_space<vmem>>
      %dma_wait3A_532 = arith.constant 0 : i32
      %dma_wait3A_533 = arith.constant 0 : i32
      %dma_wait3A_534 = tpu.memref_slice %arg7[%dma_wait3A_532, %dma_wait3A_533] : memref<10240x128xf32, #tpu.memory_space<vmem_shared>> -> memref<10240x128xf32, #tpu.memory_space<vmem_shared>>
      %dma_wait3A_535 = tpu.memref_slice %arg12[%dma_wait3A_524] : memref<4x!tpu.dma_semaphore, #tpu.memory_space<semaphore_mem>> -> memref<1x!tpu.dma_semaphore, #tpu.memory_space<semaphore_mem>>
      %dma_wait3A_536 = tpu.memref_squeeze %dma_wait3A_535 : memref<1x!tpu.dma_semaphore, #tpu.memory_space<semaphore_mem>> -> memref<!tpu.dma_semaphore, #tpu.memory_space<semaphore_mem>>
      tpu.wait_indirect_dma semaphore(%dma_wait3A_536 : memref<!tpu.dma_semaphore, #tpu.memory_space<semaphore_mem>>) src(%dma_wait3A_528 : memref<80x128xf32, #tpu.memory_space<vmem>>) dst(%dma_wait3A_534 : memref<10240x128xf32, #tpu.memory_space<vmem_shared>>)
      %add3A_537 = arith.constant 0 : i32
      %add3A_538 = arith.addi %mul3A_302, %add3A_537 : i32
      %add3A_539 = arith.constant 4 : i32
      %add3A_540 = arith.addi %add3A_538, %add3A_539 : i32
      %mul3A_541 = arith.constant 80 : i32
      %mul3A_542 = arith.muli %add3A_540, %mul3A_541 : i32
      %add3A_543 = arith.addi %mul3A_4, %mul3A_542 : i32
      %dma_start3A_544 = arith.constant 0 : i32
      %dma_start3A_545 = arith.constant 0 : i32
      %dma_start3A_546 = arith.constant 0 : i32
      %dma_start3A_547 = tpu.memref_slice %arg9[%dma_start3A_544, %dma_start3A_546] : memref<4x80xi32, #tpu.memory_space<vmem>> -> memref<1x80xi32, #tpu.memory_space<vmem>>
      %dma_start3A_548 = tpu.memref_squeeze %dma_start3A_547 : memref<1x80xi32, #tpu.memory_space<vmem>> -> memref<80xi32, #tpu.memory_space<vmem>>
      %dma_start3A_549 = tpu.memref_slice %arg4[%add3A_543] : memref<320000xi32, #tpu.memory_space<hbm>> -> memref<80xi32, #tpu.memory_space<hbm>>
      %dma_start3A_550 = tpu.memref_slice %arg14[%dma_start3A_545] : memref<4x!tpu.dma_semaphore, #tpu.memory_space<semaphore_mem>> -> memref<1x!tpu.dma_semaphore, #tpu.memory_space<semaphore_mem>>
      %dma_start3A_551 = tpu.memref_squeeze %dma_start3A_550 : memref<1x!tpu.dma_semaphore, #tpu.memory_space<semaphore_mem>> -> memref<!tpu.dma_semaphore, #tpu.memory_space<semaphore_mem>>
      %dma_start3A_552 = arith.constant 0 : i32
      %dma_start3A_553 = tpu.memref_slice %arg9[%dma_start3A_544, %dma_start3A_552] : memref<4x80xi32, #tpu.memory_space<vmem>> -> memref<1x80xi32, #tpu.memory_space<vmem>>
      %dma_start3A_554 = tpu.memref_squeeze %dma_start3A_553 : memref<1x80xi32, #tpu.memory_space<vmem>> -> memref<80xi32, #tpu.memory_space<vmem>>
      %dma_start3A_555 = tpu.memref_slice %arg4[%add3A_543] : memref<320000xi32, #tpu.memory_space<hbm>> -> memref<80xi32, #tpu.memory_space<hbm>>
      tpu.enqueue_dma source(%dma_start3A_555 : memref<80xi32, #tpu.memory_space<hbm>>) target(%dma_start3A_554 : memref<80xi32, #tpu.memory_space<vmem>>) target_semaphore(%dma_start3A_551 : memref<!tpu.dma_semaphore, #tpu.memory_space<semaphore_mem>>)
      %dma_wait3A_556 = arith.constant 0 : i32
      %dma_wait3A_557 = arith.constant 0 : i32
      %dma_wait3A_558 = arith.constant 0 : i32
      %dma_wait3A_559 = tpu.memref_slice %arg8[%dma_wait3A_556, %dma_wait3A_558] : memref<4x80xi32, #tpu.memory_space<vmem>> -> memref<1x80xi32, #tpu.memory_space<vmem>>
      %dma_wait3A_560 = tpu.memref_squeeze %dma_wait3A_559 : memref<1x80xi32, #tpu.memory_space<vmem>> -> memref<80xi32, #tpu.memory_space<vmem>>
      %dma_wait3A_561 = arith.constant 0 : i32
      %dma_wait3A_562 = tpu.memref_slice %arg4[%dma_wait3A_561] : memref<320000xi32, #tpu.memory_space<hbm>> -> memref<80xi32, #tpu.memory_space<hbm>>
      %dma_wait3A_563 = tpu.memref_slice %arg13[%dma_wait3A_557] : memref<4x!tpu.dma_semaphore, #tpu.memory_space<semaphore_mem>> -> memref<1x!tpu.dma_semaphore, #tpu.memory_space<semaphore_mem>>
      %dma_wait3A_564 = tpu.memref_squeeze %dma_wait3A_563 : memref<1x!tpu.dma_semaphore, #tpu.memory_space<semaphore_mem>> -> memref<!tpu.dma_semaphore, #tpu.memory_space<semaphore_mem>>
      %dma_wait3A_565 = arith.constant 0 : i32
      %dma_wait3A_566 = tpu.memref_slice %arg8[%dma_wait3A_556, %dma_wait3A_565] : memref<4x80xi32, #tpu.memory_space<vmem>> -> memref<1x80xi32, #tpu.memory_space<vmem>>
      %dma_wait3A_567 = tpu.memref_squeeze %dma_wait3A_566 : memref<1x80xi32, #tpu.memory_space<vmem>> -> memref<80xi32, #tpu.memory_space<vmem>>
      %dma_wait3A_568 = arith.constant 0 : i32
      %dma_wait3A_569 = tpu.memref_slice %arg4[%dma_wait3A_568] : memref<320000xi32, #tpu.memory_space<hbm>> -> memref<80xi32, #tpu.memory_space<hbm>>
      tpu.wait_dma2 semaphore(%dma_wait3A_564 : memref<!tpu.dma_semaphore, #tpu.memory_space<semaphore_mem>>) src(%dma_wait3A_569 : memref<80xi32, #tpu.memory_space<hbm>>) dst(%dma_wait3A_567 : memref<80xi32, #tpu.memory_space<vmem>>)
      %dma_start3A_570 = arith.constant 0 : i32
      %dma_start3A_571 = arith.constant 0 : i32
      %dma_start3A_572 = arith.constant 0 : i32
      %dma_start3A_573 = arith.constant 0 : i32
      %dma_start3A_574 = arith.constant 0 : i32
      %dma_start3A_575 = tpu.memref_slice %arg10[%dma_start3A_571, %dma_start3A_573, %dma_start3A_574] : memref<4x80x128xf32, #tpu.memory_space<vmem>> -> memref<1x80x128xf32, #tpu.memory_space<vmem>>
      %dma_start3A_576 = tpu.memref_squeeze %dma_start3A_575 : memref<1x80x128xf32, #tpu.memory_space<vmem>> -> memref<80x128xf32, #tpu.memory_space<vmem>>
      %dma_start3A_577 = arith.constant 0 : i32
      %dma_start3A_578 = tpu.memref_slice %arg8[%dma_start3A_570, %dma_start3A_577] : memref<4x80xi32, #tpu.memory_space<vmem>> -> memref<1x80xi32, #tpu.memory_space<vmem>>
      %dma_start3A_579 = tpu.memref_squeeze %dma_start3A_578 : memref<1x80xi32, #tpu.memory_space<vmem>> -> memref<80xi32, #tpu.memory_space<vmem>>
      %dma_start3A_580 = arith.constant 0 : i32
      %dma_start3A_581 = arith.constant 0 : i32
      %dma_start3A_582 = tpu.memref_slice %arg2[%dma_start3A_580, %dma_start3A_581] : memref<10000x128xf32, #tpu.memory_space<hbm>> -> memref<10000x128xf32, #tpu.memory_space<hbm>>
      %dma_start3A_583 = tpu.memref_slice %arg11[%dma_start3A_572] : memref<4x!tpu.dma_semaphore, #tpu.memory_space<semaphore_mem>> -> memref<1x!tpu.dma_semaphore, #tpu.memory_space<semaphore_mem>>
      %dma_start3A_584 = tpu.memref_squeeze %dma_start3A_583 : memref<1x!tpu.dma_semaphore, #tpu.memory_space<semaphore_mem>> -> memref<!tpu.dma_semaphore, #tpu.memory_space<semaphore_mem>>
      tpu.enqueue_indirect_dma source(%dma_start3A_582 : memref<10000x128xf32, #tpu.memory_space<hbm>>) target(%dma_start3A_576 : memref<80x128xf32, #tpu.memory_space<vmem>>) offsets(%dma_start3A_579 : memref<80xi32, #tpu.memory_space<vmem>>) semaphore(%dma_start3A_584 : memref<!tpu.dma_semaphore, #tpu.memory_space<semaphore_mem>>)
      %dma_wait3A_585 = arith.constant 1 : i32
      %dma_wait3A_586 = arith.constant 1 : i32
      %dma_wait3A_587 = arith.constant 1 : i32
      %dma_wait3A_588 = arith.constant 0 : i32
      %dma_wait3A_589 = arith.constant 0 : i32
      %dma_wait3A_590 = tpu.memref_slice %arg10[%dma_wait3A_585, %dma_wait3A_588, %dma_wait3A_589] : memref<4x80x128xf32, #tpu.memory_space<vmem>> -> memref<1x80x128xf32, #tpu.memory_space<vmem>>
      %dma_wait3A_591 = tpu.memref_squeeze %dma_wait3A_590 : memref<1x80x128xf32, #tpu.memory_space<vmem>> -> memref<80x128xf32, #tpu.memory_space<vmem>>
      %dma_wait3A_592 = arith.constant 0 : i32
      %dma_wait3A_593 = tpu.memref_slice %arg9[%dma_wait3A_586, %dma_wait3A_592] : memref<4x80xi32, #tpu.memory_space<vmem>> -> memref<1x80xi32, #tpu.memory_space<vmem>>
      %dma_wait3A_594 = tpu.memref_squeeze %dma_wait3A_593 : memref<1x80xi32, #tpu.memory_space<vmem>> -> memref<80xi32, #tpu.memory_space<vmem>>
      %dma_wait3A_595 = arith.constant 0 : i32
      %dma_wait3A_596 = arith.constant 0 : i32
      %dma_wait3A_597 = tpu.memref_slice %arg7[%dma_wait3A_595, %dma_wait3A_596] : memref<10240x128xf32, #tpu.memory_space<vmem_shared>> -> memref<10240x128xf32, #tpu.memory_space<vmem_shared>>
      %dma_wait3A_598 = tpu.memref_slice %arg12[%dma_wait3A_587] : memref<4x!tpu.dma_semaphore, #tpu.memory_space<semaphore_mem>> -> memref<1x!tpu.dma_semaphore, #tpu.memory_space<semaphore_mem>>
      %dma_wait3A_599 = tpu.memref_squeeze %dma_wait3A_598 : memref<1x!tpu.dma_semaphore, #tpu.memory_space<semaphore_mem>> -> memref<!tpu.dma_semaphore, #tpu.memory_space<semaphore_mem>>
      tpu.wait_indirect_dma semaphore(%dma_wait3A_599 : memref<!tpu.dma_semaphore, #tpu.memory_space<semaphore_mem>>) src(%dma_wait3A_591 : memref<80x128xf32, #tpu.memory_space<vmem>>) dst(%dma_wait3A_597 : memref<10240x128xf32, #tpu.memory_space<vmem_shared>>)
      %lt3A_600 = arith.constant 30 : i32
      %lt3A_601 = arith.cmpi slt, %scan3A_300, %lt3A_600 : i32
      %add3A_602 = arith.constant 1 : i32
      %add3A_603 = arith.addi %mul3A_302, %add3A_602 : i32
      %add3A_604 = arith.constant 4 : i32
      %add3A_605 = arith.addi %add3A_603, %add3A_604 : i32
      %convert_element_type3A_606 = arith.extui %lt3A_601 : i1 to i32
      %cond3A_607 = arith.constant 0 : i32
      %cond3A_608 = arith.cmpi ne, %convert_element_type3A_606, %cond3A_607 : i32
      scf.if %cond3A_608 {
        %mul3A_657 = arith.constant 80 : i32
        %mul3A_658 = arith.muli %add3A_605, %mul3A_657 : i32
        %add3A_659 = arith.addi %mul3A_4, %mul3A_658 : i32
        %dma_start3A_660 = arith.constant 1 : i32
        %dma_start3A_661 = arith.constant 1 : i32
        %dma_start3A_662 = arith.constant 0 : i32
        %dma_start3A_663 = tpu.memref_slice %arg9[%dma_start3A_660, %dma_start3A_662] : memref<4x80xi32, #tpu.memory_space<vmem>> -> memref<1x80xi32, #tpu.memory_space<vmem>>
        %dma_start3A_664 = tpu.memref_squeeze %dma_start3A_663 : memref<1x80xi32, #tpu.memory_space<vmem>> -> memref<80xi32, #tpu.memory_space<vmem>>
        %dma_start3A_665 = tpu.memref_slice %arg4[%add3A_659] : memref<320000xi32, #tpu.memory_space<hbm>> -> memref<80xi32, #tpu.memory_space<hbm>>
        %dma_start3A_666 = tpu.memref_slice %arg14[%dma_start3A_661] : memref<4x!tpu.dma_semaphore, #tpu.memory_space<semaphore_mem>> -> memref<1x!tpu.dma_semaphore, #tpu.memory_space<semaphore_mem>>
        %dma_start3A_667 = tpu.memref_squeeze %dma_start3A_666 : memref<1x!tpu.dma_semaphore, #tpu.memory_space<semaphore_mem>> -> memref<!tpu.dma_semaphore, #tpu.memory_space<semaphore_mem>>
        %dma_start3A_668 = arith.constant 0 : i32
        %dma_start3A_669 = tpu.memref_slice %arg9[%dma_start3A_660, %dma_start3A_668] : memref<4x80xi32, #tpu.memory_space<vmem>> -> memref<1x80xi32, #tpu.memory_space<vmem>>
        %dma_start3A_670 = tpu.memref_squeeze %dma_start3A_669 : memref<1x80xi32, #tpu.memory_space<vmem>> -> memref<80xi32, #tpu.memory_space<vmem>>
        %dma_start3A_671 = tpu.memref_slice %arg4[%add3A_659] : memref<320000xi32, #tpu.memory_space<hbm>> -> memref<80xi32, #tpu.memory_space<hbm>>
        tpu.enqueue_dma source(%dma_start3A_671 : memref<80xi32, #tpu.memory_space<hbm>>) target(%dma_start3A_670 : memref<80xi32, #tpu.memory_space<vmem>>) target_semaphore(%dma_start3A_667 : memref<!tpu.dma_semaphore, #tpu.memory_space<semaphore_mem>>)
        %dma_wait3A_672 = arith.constant 1 : i32
        %dma_wait3A_673 = arith.constant 1 : i32
        %dma_wait3A_674 = arith.constant 0 : i32
        %dma_wait3A_675 = tpu.memref_slice %arg8[%dma_wait3A_672, %dma_wait3A_674] : memref<4x80xi32, #tpu.memory_space<vmem>> -> memref<1x80xi32, #tpu.memory_space<vmem>>
        %dma_wait3A_676 = tpu.memref_squeeze %dma_wait3A_675 : memref<1x80xi32, #tpu.memory_space<vmem>> -> memref<80xi32, #tpu.memory_space<vmem>>
        %dma_wait3A_677 = arith.constant 0 : i32
        %dma_wait3A_678 = tpu.memref_slice %arg4[%dma_wait3A_677] : memref<320000xi32, #tpu.memory_space<hbm>> -> memref<80xi32, #tpu.memory_space<hbm>>
        %dma_wait3A_679 = tpu.memref_slice %arg13[%dma_wait3A_673] : memref<4x!tpu.dma_semaphore, #tpu.memory_space<semaphore_mem>> -> memref<1x!tpu.dma_semaphore, #tpu.memory_space<semaphore_mem>>
        %dma_wait3A_680 = tpu.memref_squeeze %dma_wait3A_679 : memref<1x!tpu.dma_semaphore, #tpu.memory_space<semaphore_mem>> -> memref<!tpu.dma_semaphore, #tpu.memory_space<semaphore_mem>>
        %dma_wait3A_681 = arith.constant 0 : i32
        %dma_wait3A_682 = tpu.memref_slice %arg8[%dma_wait3A_672, %dma_wait3A_681] : memref<4x80xi32, #tpu.memory_space<vmem>> -> memref<1x80xi32, #tpu.memory_space<vmem>>
        %dma_wait3A_683 = tpu.memref_squeeze %dma_wait3A_682 : memref<1x80xi32, #tpu.memory_space<vmem>> -> memref<80xi32, #tpu.memory_space<vmem>>
        %dma_wait3A_684 = arith.constant 0 : i32
        %dma_wait3A_685 = tpu.memref_slice %arg4[%dma_wait3A_684] : memref<320000xi32, #tpu.memory_space<hbm>> -> memref<80xi32, #tpu.memory_space<hbm>>
        tpu.wait_dma2 semaphore(%dma_wait3A_680 : memref<!tpu.dma_semaphore, #tpu.memory_space<semaphore_mem>>) src(%dma_wait3A_685 : memref<80xi32, #tpu.memory_space<hbm>>) dst(%dma_wait3A_683 : memref<80xi32, #tpu.memory_space<vmem>>)
        %dma_start3A_686 = arith.constant 1 : i32
        %dma_start3A_687 = arith.constant 1 : i32
        %dma_start3A_688 = arith.constant 1 : i32
        %dma_start3A_689 = arith.constant 0 : i32
        %dma_start3A_690 = arith.constant 0 : i32
        %dma_start3A_691 = tpu.memref_slice %arg10[%dma_start3A_687, %dma_start3A_689, %dma_start3A_690] : memref<4x80x128xf32, #tpu.memory_space<vmem>> -> memref<1x80x128xf32, #tpu.memory_space<vmem>>
        %dma_start3A_692 = tpu.memref_squeeze %dma_start3A_691 : memref<1x80x128xf32, #tpu.memory_space<vmem>> -> memref<80x128xf32, #tpu.memory_space<vmem>>
        %dma_start3A_693 = arith.constant 0 : i32
        %dma_start3A_694 = tpu.memref_slice %arg8[%dma_start3A_686, %dma_start3A_693] : memref<4x80xi32, #tpu.memory_space<vmem>> -> memref<1x80xi32, #tpu.memory_space<vmem>>
        %dma_start3A_695 = tpu.memref_squeeze %dma_start3A_694 : memref<1x80xi32, #tpu.memory_space<vmem>> -> memref<80xi32, #tpu.memory_space<vmem>>
        %dma_start3A_696 = arith.constant 0 : i32
        %dma_start3A_697 = arith.constant 0 : i32
        %dma_start3A_698 = tpu.memref_slice %arg2[%dma_start3A_696, %dma_start3A_697] : memref<10000x128xf32, #tpu.memory_space<hbm>> -> memref<10000x128xf32, #tpu.memory_space<hbm>>
        %dma_start3A_699 = tpu.memref_slice %arg11[%dma_start3A_688] : memref<4x!tpu.dma_semaphore, #tpu.memory_space<semaphore_mem>> -> memref<1x!tpu.dma_semaphore, #tpu.memory_space<semaphore_mem>>
        %dma_start3A_700 = tpu.memref_squeeze %dma_start3A_699 : memref<1x!tpu.dma_semaphore, #tpu.memory_space<semaphore_mem>> -> memref<!tpu.dma_semaphore, #tpu.memory_space<semaphore_mem>>
        tpu.enqueue_indirect_dma source(%dma_start3A_698 : memref<10000x128xf32, #tpu.memory_space<hbm>>) target(%dma_start3A_692 : memref<80x128xf32, #tpu.memory_space<vmem>>) offsets(%dma_start3A_695 : memref<80xi32, #tpu.memory_space<vmem>>) semaphore(%dma_start3A_700 : memref<!tpu.dma_semaphore, #tpu.memory_space<semaphore_mem>>)
      } else {
      }
      %dma_wait3A_609 = arith.constant 2 : i32
      %dma_wait3A_610 = arith.constant 2 : i32
      %dma_wait3A_611 = arith.constant 2 : i32
      %dma_wait3A_612 = arith.constant 0 : i32
      %dma_wait3A_613 = arith.constant 0 : i32
      %dma_wait3A_614 = tpu.memref_slice %arg10[%dma_wait3A_609, %dma_wait3A_612, %dma_wait3A_613] : memref<4x80x128xf32, #tpu.memory_space<vmem>> -> memref<1x80x128xf32, #tpu.memory_space<vmem>>
      %dma_wait3A_615 = tpu.memref_squeeze %dma_wait3A_614 : memref<1x80x128xf32, #tpu.memory_space<vmem>> -> memref<80x128xf32, #tpu.memory_space<vmem>>
      %dma_wait3A_616 = arith.constant 0 : i32
      %dma_wait3A_617 = tpu.memref_slice %arg9[%dma_wait3A_610, %dma_wait3A_616] : memref<4x80xi32, #tpu.memory_space<vmem>> -> memref<1x80xi32, #tpu.memory_space<vmem>>
      %dma_wait3A_618 = tpu.memref_squeeze %dma_wait3A_617 : memref<1x80xi32, #tpu.memory_space<vmem>> -> memref<80xi32, #tpu.memory_space<vmem>>
      %dma_wait3A_619 = arith.constant 0 : i32
      %dma_wait3A_620 = arith.constant 0 : i32
      %dma_wait3A_621 = tpu.memref_slice %arg7[%dma_wait3A_619, %dma_wait3A_620] : memref<10240x128xf32, #tpu.memory_space<vmem_shared>> -> memref<10240x128xf32, #tpu.memory_space<vmem_shared>>
      %dma_wait3A_622 = tpu.memref_slice %arg12[%dma_wait3A_611] : memref<4x!tpu.dma_semaphore, #tpu.memory_space<semaphore_mem>> -> memref<1x!tpu.dma_semaphore, #tpu.memory_space<semaphore_mem>>
      %dma_wait3A_623 = tpu.memref_squeeze %dma_wait3A_622 : memref<1x!tpu.dma_semaphore, #tpu.memory_space<semaphore_mem>> -> memref<!tpu.dma_semaphore, #tpu.memory_space<semaphore_mem>>
      tpu.wait_indirect_dma semaphore(%dma_wait3A_623 : memref<!tpu.dma_semaphore, #tpu.memory_space<semaphore_mem>>) src(%dma_wait3A_615 : memref<80x128xf32, #tpu.memory_space<vmem>>) dst(%dma_wait3A_621 : memref<10240x128xf32, #tpu.memory_space<vmem_shared>>)
      %lt3A_624 = arith.constant 30 : i32
      %lt3A_625 = arith.cmpi slt, %scan3A_300, %lt3A_624 : i32
      %add3A_626 = arith.constant 2 : i32
      %add3A_627 = arith.addi %mul3A_302, %add3A_626 : i32
      %add3A_628 = arith.constant 4 : i32
      %add3A_629 = arith.addi %add3A_627, %add3A_628 : i32
      %convert_element_type3A_630 = arith.extui %lt3A_625 : i1 to i32
      %cond3A_631 = arith.constant 0 : i32
      %cond3A_632 = arith.cmpi ne, %convert_element_type3A_630, %cond3A_631 : i32
      scf.if %cond3A_632 {
        %mul3A_657 = arith.constant 80 : i32
        %mul3A_658 = arith.muli %add3A_629, %mul3A_657 : i32
        %add3A_659 = arith.addi %mul3A_4, %mul3A_658 : i32
        %dma_start3A_660 = arith.constant 2 : i32
        %dma_start3A_661 = arith.constant 2 : i32
        %dma_start3A_662 = arith.constant 0 : i32
        %dma_start3A_663 = tpu.memref_slice %arg9[%dma_start3A_660, %dma_start3A_662] : memref<4x80xi32, #tpu.memory_space<vmem>> -> memref<1x80xi32, #tpu.memory_space<vmem>>
        %dma_start3A_664 = tpu.memref_squeeze %dma_start3A_663 : memref<1x80xi32, #tpu.memory_space<vmem>> -> memref<80xi32, #tpu.memory_space<vmem>>
        %dma_start3A_665 = tpu.memref_slice %arg4[%add3A_659] : memref<320000xi32, #tpu.memory_space<hbm>> -> memref<80xi32, #tpu.memory_space<hbm>>
        %dma_start3A_666 = tpu.memref_slice %arg14[%dma_start3A_661] : memref<4x!tpu.dma_semaphore, #tpu.memory_space<semaphore_mem>> -> memref<1x!tpu.dma_semaphore, #tpu.memory_space<semaphore_mem>>
        %dma_start3A_667 = tpu.memref_squeeze %dma_start3A_666 : memref<1x!tpu.dma_semaphore, #tpu.memory_space<semaphore_mem>> -> memref<!tpu.dma_semaphore, #tpu.memory_space<semaphore_mem>>
        %dma_start3A_668 = arith.constant 0 : i32
        %dma_start3A_669 = tpu.memref_slice %arg9[%dma_start3A_660, %dma_start3A_668] : memref<4x80xi32, #tpu.memory_space<vmem>> -> memref<1x80xi32, #tpu.memory_space<vmem>>
        %dma_start3A_670 = tpu.memref_squeeze %dma_start3A_669 : memref<1x80xi32, #tpu.memory_space<vmem>> -> memref<80xi32, #tpu.memory_space<vmem>>
        %dma_start3A_671 = tpu.memref_slice %arg4[%add3A_659] : memref<320000xi32, #tpu.memory_space<hbm>> -> memref<80xi32, #tpu.memory_space<hbm>>
        tpu.enqueue_dma source(%dma_start3A_671 : memref<80xi32, #tpu.memory_space<hbm>>) target(%dma_start3A_670 : memref<80xi32, #tpu.memory_space<vmem>>) target_semaphore(%dma_start3A_667 : memref<!tpu.dma_semaphore, #tpu.memory_space<semaphore_mem>>)
        %dma_wait3A_672 = arith.constant 2 : i32
        %dma_wait3A_673 = arith.constant 2 : i32
        %dma_wait3A_674 = arith.constant 0 : i32
        %dma_wait3A_675 = tpu.memref_slice %arg8[%dma_wait3A_672, %dma_wait3A_674] : memref<4x80xi32, #tpu.memory_space<vmem>> -> memref<1x80xi32, #tpu.memory_space<vmem>>
        %dma_wait3A_676 = tpu.memref_squeeze %dma_wait3A_675 : memref<1x80xi32, #tpu.memory_space<vmem>> -> memref<80xi32, #tpu.memory_space<vmem>>
        %dma_wait3A_677 = arith.constant 0 : i32
        %dma_wait3A_678 = tpu.memref_slice %arg4[%dma_wait3A_677] : memref<320000xi32, #tpu.memory_space<hbm>> -> memref<80xi32, #tpu.memory_space<hbm>>
        %dma_wait3A_679 = tpu.memref_slice %arg13[%dma_wait3A_673] : memref<4x!tpu.dma_semaphore, #tpu.memory_space<semaphore_mem>> -> memref<1x!tpu.dma_semaphore, #tpu.memory_space<semaphore_mem>>
        %dma_wait3A_680 = tpu.memref_squeeze %dma_wait3A_679 : memref<1x!tpu.dma_semaphore, #tpu.memory_space<semaphore_mem>> -> memref<!tpu.dma_semaphore, #tpu.memory_space<semaphore_mem>>
        %dma_wait3A_681 = arith.constant 0 : i32
        %dma_wait3A_682 = tpu.memref_slice %arg8[%dma_wait3A_672, %dma_wait3A_681] : memref<4x80xi32, #tpu.memory_space<vmem>> -> memref<1x80xi32, #tpu.memory_space<vmem>>
        %dma_wait3A_683 = tpu.memref_squeeze %dma_wait3A_682 : memref<1x80xi32, #tpu.memory_space<vmem>> -> memref<80xi32, #tpu.memory_space<vmem>>
        %dma_wait3A_684 = arith.constant 0 : i32
        %dma_wait3A_685 = tpu.memref_slice %arg4[%dma_wait3A_684] : memref<320000xi32, #tpu.memory_space<hbm>> -> memref<80xi32, #tpu.memory_space<hbm>>
        tpu.wait_dma2 semaphore(%dma_wait3A_680 : memref<!tpu.dma_semaphore, #tpu.memory_space<semaphore_mem>>) src(%dma_wait3A_685 : memref<80xi32, #tpu.memory_space<hbm>>) dst(%dma_wait3A_683 : memref<80xi32, #tpu.memory_space<vmem>>)
        %dma_start3A_686 = arith.constant 2 : i32
        %dma_start3A_687 = arith.constant 2 : i32
        %dma_start3A_688 = arith.constant 2 : i32
        %dma_start3A_689 = arith.constant 0 : i32
        %dma_start3A_690 = arith.constant 0 : i32
        %dma_start3A_691 = tpu.memref_slice %arg10[%dma_start3A_687, %dma_start3A_689, %dma_start3A_690] : memref<4x80x128xf32, #tpu.memory_space<vmem>> -> memref<1x80x128xf32, #tpu.memory_space<vmem>>
        %dma_start3A_692 = tpu.memref_squeeze %dma_start3A_691 : memref<1x80x128xf32, #tpu.memory_space<vmem>> -> memref<80x128xf32, #tpu.memory_space<vmem>>
        %dma_start3A_693 = arith.constant 0 : i32
        %dma_start3A_694 = tpu.memref_slice %arg8[%dma_start3A_686, %dma_start3A_693] : memref<4x80xi32, #tpu.memory_space<vmem>> -> memref<1x80xi32, #tpu.memory_space<vmem>>
        %dma_start3A_695 = tpu.memref_squeeze %dma_start3A_694 : memref<1x80xi32, #tpu.memory_space<vmem>> -> memref<80xi32, #tpu.memory_space<vmem>>
        %dma_start3A_696 = arith.constant 0 : i32
        %dma_start3A_697 = arith.constant 0 : i32
        %dma_start3A_698 = tpu.memref_slice %arg2[%dma_start3A_696, %dma_start3A_697] : memref<10000x128xf32, #tpu.memory_space<hbm>> -> memref<10000x128xf32, #tpu.memory_space<hbm>>
        %dma_start3A_699 = tpu.memref_slice %arg11[%dma_start3A_688] : memref<4x!tpu.dma_semaphore, #tpu.memory_space<semaphore_mem>> -> memref<1x!tpu.dma_semaphore, #tpu.memory_space<semaphore_mem>>
        %dma_start3A_700 = tpu.memref_squeeze %dma_start3A_699 : memref<1x!tpu.dma_semaphore, #tpu.memory_space<semaphore_mem>> -> memref<!tpu.dma_semaphore, #tpu.memory_space<semaphore_mem>>
        tpu.enqueue_indirect_dma source(%dma_start3A_698 : memref<10000x128xf32, #tpu.memory_space<hbm>>) target(%dma_start3A_692 : memref<80x128xf32, #tpu.memory_space<vmem>>) offsets(%dma_start3A_695 : memref<80xi32, #tpu.memory_space<vmem>>) semaphore(%dma_start3A_700 : memref<!tpu.dma_semaphore, #tpu.memory_space<semaphore_mem>>)
      } else {
      }
      %dma_wait3A_633 = arith.constant 3 : i32
      %dma_wait3A_634 = arith.constant 3 : i32
      %dma_wait3A_635 = arith.constant 3 : i32
      %dma_wait3A_636 = arith.constant 0 : i32
      %dma_wait3A_637 = arith.constant 0 : i32
      %dma_wait3A_638 = tpu.memref_slice %arg10[%dma_wait3A_633, %dma_wait3A_636, %dma_wait3A_637] : memref<4x80x128xf32, #tpu.memory_space<vmem>> -> memref<1x80x128xf32, #tpu.memory_space<vmem>>
      %dma_wait3A_639 = tpu.memref_squeeze %dma_wait3A_638 : memref<1x80x128xf32, #tpu.memory_space<vmem>> -> memref<80x128xf32, #tpu.memory_space<vmem>>
      %dma_wait3A_640 = arith.constant 0 : i32
      %dma_wait3A_641 = tpu.memref_slice %arg9[%dma_wait3A_634, %dma_wait3A_640] : memref<4x80xi32, #tpu.memory_space<vmem>> -> memref<1x80xi32, #tpu.memory_space<vmem>>
      %dma_wait3A_642 = tpu.memref_squeeze %dma_wait3A_641 : memref<1x80xi32, #tpu.memory_space<vmem>> -> memref<80xi32, #tpu.memory_space<vmem>>
      %dma_wait3A_643 = arith.constant 0 : i32
      %dma_wait3A_644 = arith.constant 0 : i32
      %dma_wait3A_645 = tpu.memref_slice %arg7[%dma_wait3A_643, %dma_wait3A_644] : memref<10240x128xf32, #tpu.memory_space<vmem_shared>> -> memref<10240x128xf32, #tpu.memory_space<vmem_shared>>
      %dma_wait3A_646 = tpu.memref_slice %arg12[%dma_wait3A_635] : memref<4x!tpu.dma_semaphore, #tpu.memory_space<semaphore_mem>> -> memref<1x!tpu.dma_semaphore, #tpu.memory_space<semaphore_mem>>
      %dma_wait3A_647 = tpu.memref_squeeze %dma_wait3A_646 : memref<1x!tpu.dma_semaphore, #tpu.memory_space<semaphore_mem>> -> memref<!tpu.dma_semaphore, #tpu.memory_space<semaphore_mem>>
      tpu.wait_indirect_dma semaphore(%dma_wait3A_647 : memref<!tpu.dma_semaphore, #tpu.memory_space<semaphore_mem>>) src(%dma_wait3A_639 : memref<80x128xf32, #tpu.memory_space<vmem>>) dst(%dma_wait3A_645 : memref<10240x128xf32, #tpu.memory_space<vmem_shared>>)
      %lt3A_648 = arith.constant 30 : i32
      %lt3A_649 = arith.cmpi slt, %scan3A_300, %lt3A_648 : i32
      %add3A_650 = arith.constant 3 : i32
      %add3A_651 = arith.addi %mul3A_302, %add3A_650 : i32
      %add3A_652 = arith.constant 4 : i32
      %add3A_653 = arith.addi %add3A_651, %add3A_652 : i32
      %convert_element_type3A_654 = arith.extui %lt3A_649 : i1 to i32
      %cond3A_655 = arith.constant 0 : i32
      %cond3A_656 = arith.cmpi ne, %convert_element_type3A_654, %cond3A_655 : i32
      scf.if %cond3A_656 {
        %mul3A_657 = arith.constant 80 : i32
        %mul3A_658 = arith.muli %add3A_653, %mul3A_657 : i32
        %add3A_659 = arith.addi %mul3A_4, %mul3A_658 : i32
        %dma_start3A_660 = arith.constant 3 : i32
        %dma_start3A_661 = arith.constant 3 : i32
        %dma_start3A_662 = arith.constant 0 : i32
        %dma_start3A_663 = tpu.memref_slice %arg9[%dma_start3A_660, %dma_start3A_662] : memref<4x80xi32, #tpu.memory_space<vmem>> -> memref<1x80xi32, #tpu.memory_space<vmem>>
        %dma_start3A_664 = tpu.memref_squeeze %dma_start3A_663 : memref<1x80xi32, #tpu.memory_space<vmem>> -> memref<80xi32, #tpu.memory_space<vmem>>
        %dma_start3A_665 = tpu.memref_slice %arg4[%add3A_659] : memref<320000xi32, #tpu.memory_space<hbm>> -> memref<80xi32, #tpu.memory_space<hbm>>
        %dma_start3A_666 = tpu.memref_slice %arg14[%dma_start3A_661] : memref<4x!tpu.dma_semaphore, #tpu.memory_space<semaphore_mem>> -> memref<1x!tpu.dma_semaphore, #tpu.memory_space<semaphore_mem>>
        %dma_start3A_667 = tpu.memref_squeeze %dma_start3A_666 : memref<1x!tpu.dma_semaphore, #tpu.memory_space<semaphore_mem>> -> memref<!tpu.dma_semaphore, #tpu.memory_space<semaphore_mem>>
        %dma_start3A_668 = arith.constant 0 : i32
        %dma_start3A_669 = tpu.memref_slice %arg9[%dma_start3A_660, %dma_start3A_668] : memref<4x80xi32, #tpu.memory_space<vmem>> -> memref<1x80xi32, #tpu.memory_space<vmem>>
        %dma_start3A_670 = tpu.memref_squeeze %dma_start3A_669 : memref<1x80xi32, #tpu.memory_space<vmem>> -> memref<80xi32, #tpu.memory_space<vmem>>
        %dma_start3A_671 = tpu.memref_slice %arg4[%add3A_659] : memref<320000xi32, #tpu.memory_space<hbm>> -> memref<80xi32, #tpu.memory_space<hbm>>
        tpu.enqueue_dma source(%dma_start3A_671 : memref<80xi32, #tpu.memory_space<hbm>>) target(%dma_start3A_670 : memref<80xi32, #tpu.memory_space<vmem>>) target_semaphore(%dma_start3A_667 : memref<!tpu.dma_semaphore, #tpu.memory_space<semaphore_mem>>)
        %dma_wait3A_672 = arith.constant 3 : i32
        %dma_wait3A_673 = arith.constant 3 : i32
        %dma_wait3A_674 = arith.constant 0 : i32
        %dma_wait3A_675 = tpu.memref_slice %arg8[%dma_wait3A_672, %dma_wait3A_674] : memref<4x80xi32, #tpu.memory_space<vmem>> -> memref<1x80xi32, #tpu.memory_space<vmem>>
        %dma_wait3A_676 = tpu.memref_squeeze %dma_wait3A_675 : memref<1x80xi32, #tpu.memory_space<vmem>> -> memref<80xi32, #tpu.memory_space<vmem>>
        %dma_wait3A_677 = arith.constant 0 : i32
        %dma_wait3A_678 = tpu.memref_slice %arg4[%dma_wait3A_677] : memref<320000xi32, #tpu.memory_space<hbm>> -> memref<80xi32, #tpu.memory_space<hbm>>
        %dma_wait3A_679 = tpu.memref_slice %arg13[%dma_wait3A_673] : memref<4x!tpu.dma_semaphore, #tpu.memory_space<semaphore_mem>> -> memref<1x!tpu.dma_semaphore, #tpu.memory_space<semaphore_mem>>
        %dma_wait3A_680 = tpu.memref_squeeze %dma_wait3A_679 : memref<1x!tpu.dma_semaphore, #tpu.memory_space<semaphore_mem>> -> memref<!tpu.dma_semaphore, #tpu.memory_space<semaphore_mem>>
        %dma_wait3A_681 = arith.constant 0 : i32
        %dma_wait3A_682 = tpu.memref_slice %arg8[%dma_wait3A_672, %dma_wait3A_681] : memref<4x80xi32, #tpu.memory_space<vmem>> -> memref<1x80xi32, #tpu.memory_space<vmem>>
        %dma_wait3A_683 = tpu.memref_squeeze %dma_wait3A_682 : memref<1x80xi32, #tpu.memory_space<vmem>> -> memref<80xi32, #tpu.memory_space<vmem>>
        %dma_wait3A_684 = arith.constant 0 : i32
        %dma_wait3A_685 = tpu.memref_slice %arg4[%dma_wait3A_684] : memref<320000xi32, #tpu.memory_space<hbm>> -> memref<80xi32, #tpu.memory_space<hbm>>
        tpu.wait_dma2 semaphore(%dma_wait3A_680 : memref<!tpu.dma_semaphore, #tpu.memory_space<semaphore_mem>>) src(%dma_wait3A_685 : memref<80xi32, #tpu.memory_space<hbm>>) dst(%dma_wait3A_683 : memref<80xi32, #tpu.memory_space<vmem>>)
        %dma_start3A_686 = arith.constant 3 : i32
        %dma_start3A_687 = arith.constant 3 : i32
        %dma_start3A_688 = arith.constant 3 : i32
        %dma_start3A_689 = arith.constant 0 : i32
        %dma_start3A_690 = arith.constant 0 : i32
        %dma_start3A_691 = tpu.memref_slice %arg10[%dma_start3A_687, %dma_start3A_689, %dma_start3A_690] : memref<4x80x128xf32, #tpu.memory_space<vmem>> -> memref<1x80x128xf32, #tpu.memory_space<vmem>>
        %dma_start3A_692 = tpu.memref_squeeze %dma_start3A_691 : memref<1x80x128xf32, #tpu.memory_space<vmem>> -> memref<80x128xf32, #tpu.memory_space<vmem>>
        %dma_start3A_693 = arith.constant 0 : i32
        %dma_start3A_694 = tpu.memref_slice %arg8[%dma_start3A_686, %dma_start3A_693] : memref<4x80xi32, #tpu.memory_space<vmem>> -> memref<1x80xi32, #tpu.memory_space<vmem>>
        %dma_start3A_695 = tpu.memref_squeeze %dma_start3A_694 : memref<1x80xi32, #tpu.memory_space<vmem>> -> memref<80xi32, #tpu.memory_space<vmem>>
        %dma_start3A_696 = arith.constant 0 : i32
        %dma_start3A_697 = arith.constant 0 : i32
        %dma_start3A_698 = tpu.memref_slice %arg2[%dma_start3A_696, %dma_start3A_697] : memref<10000x128xf32, #tpu.memory_space<hbm>> -> memref<10000x128xf32, #tpu.memory_space<hbm>>
        %dma_start3A_699 = tpu.memref_slice %arg11[%dma_start3A_688] : memref<4x!tpu.dma_semaphore, #tpu.memory_space<semaphore_mem>> -> memref<1x!tpu.dma_semaphore, #tpu.memory_space<semaphore_mem>>
        %dma_start3A_700 = tpu.memref_squeeze %dma_start3A_699 : memref<1x!tpu.dma_semaphore, #tpu.memory_space<semaphore_mem>> -> memref<!tpu.dma_semaphore, #tpu.memory_space<semaphore_mem>>
        tpu.enqueue_indirect_dma source(%dma_start3A_698 : memref<10000x128xf32, #tpu.memory_space<hbm>>) target(%dma_start3A_692 : memref<80x128xf32, #tpu.memory_space<vmem>>) offsets(%dma_start3A_695 : memref<80xi32, #tpu.memory_space<vmem>>) semaphore(%dma_start3A_700 : memref<!tpu.dma_semaphore, #tpu.memory_space<semaphore_mem>>)
      } else {
      }
    }
    %scan3A_235 = arith.constant 31 : i32
    %dma_wait3A_236 = arith.constant 0 : i32
    %dma_wait3A_237 = arith.constant 0 : i32
    %dma_wait3A_238 = arith.constant 0 : i32
    %dma_wait3A_239 = arith.constant 0 : i32
    %dma_wait3A_240 = arith.constant 0 : i32
    %dma_wait3A_241 = tpu.memref_slice %arg10[%dma_wait3A_237, %dma_wait3A_239, %dma_wait3A_240] : memref<4x80x128xf32, #tpu.memory_space<vmem>> -> memref<1x80x128xf32, #tpu.memory_space<vmem>>
    %dma_wait3A_242 = tpu.memref_squeeze %dma_wait3A_241 : memref<1x80x128xf32, #tpu.memory_space<vmem>> -> memref<80x128xf32, #tpu.memory_space<vmem>>
    %dma_wait3A_243 = arith.constant 0 : i32
    %dma_wait3A_244 = tpu.memref_slice %arg8[%dma_wait3A_236, %dma_wait3A_243] : memref<4x80xi32, #tpu.memory_space<vmem>> -> memref<1x80xi32, #tpu.memory_space<vmem>>
    %dma_wait3A_245 = tpu.memref_squeeze %dma_wait3A_244 : memref<1x80xi32, #tpu.memory_space<vmem>> -> memref<80xi32, #tpu.memory_space<vmem>>
    %dma_wait3A_246 = arith.constant 0 : i32
    %dma_wait3A_247 = arith.constant 0 : i32
    %dma_wait3A_248 = tpu.memref_slice %arg2[%dma_wait3A_246, %dma_wait3A_247] : memref<10000x128xf32, #tpu.memory_space<hbm>> -> memref<10000x128xf32, #tpu.memory_space<hbm>>
    %dma_wait3A_249 = tpu.memref_slice %arg11[%dma_wait3A_238] : memref<4x!tpu.dma_semaphore, #tpu.memory_space<semaphore_mem>> -> memref<1x!tpu.dma_semaphore, #tpu.memory_space<semaphore_mem>>
    %dma_wait3A_250 = tpu.memref_squeeze %dma_wait3A_249 : memref<1x!tpu.dma_semaphore, #tpu.memory_space<semaphore_mem>> -> memref<!tpu.dma_semaphore, #tpu.memory_space<semaphore_mem>>
    tpu.wait_indirect_dma semaphore(%dma_wait3A_250 : memref<!tpu.dma_semaphore, #tpu.memory_space<semaphore_mem>>) src(%dma_wait3A_248 : memref<10000x128xf32, #tpu.memory_space<hbm>>) dst(%dma_wait3A_242 : memref<80x128xf32, #tpu.memory_space<vmem>>)
    %dma_wait3A_251 = arith.constant 0 : i32
    %dma_wait3A_252 = arith.constant 0 : i32
    %dma_wait3A_253 = arith.constant 0 : i32
    %dma_wait3A_254 = tpu.memref_slice %arg9[%dma_wait3A_251, %dma_wait3A_253] : memref<4x80xi32, #tpu.memory_space<vmem>> -> memref<1x80xi32, #tpu.memory_space<vmem>>
    %dma_wait3A_255 = tpu.memref_squeeze %dma_wait3A_254 : memref<1x80xi32, #tpu.memory_space<vmem>> -> memref<80xi32, #tpu.memory_space<vmem>>
    %dma_wait3A_256 = arith.constant 0 : i32
    %dma_wait3A_257 = tpu.memref_slice %arg4[%dma_wait3A_256] : memref<320000xi32, #tpu.memory_space<hbm>> -> memref<80xi32, #tpu.memory_space<hbm>>
    %dma_wait3A_258 = tpu.memref_slice %arg14[%dma_wait3A_252] : memref<4x!tpu.dma_semaphore, #tpu.memory_space<semaphore_mem>> -> memref<1x!tpu.dma_semaphore, #tpu.memory_space<semaphore_mem>>
    %dma_wait3A_259 = tpu.memref_squeeze %dma_wait3A_258 : memref<1x!tpu.dma_semaphore, #tpu.memory_space<semaphore_mem>> -> memref<!tpu.dma_semaphore, #tpu.memory_space<semaphore_mem>>
    %dma_wait3A_260 = arith.constant 0 : i32
    %dma_wait3A_261 = tpu.memref_slice %arg9[%dma_wait3A_251, %dma_wait3A_260] : memref<4x80xi32, #tpu.memory_space<vmem>> -> memref<1x80xi32, #tpu.memory_space<vmem>>
    %dma_wait3A_262 = tpu.memref_squeeze %dma_wait3A_261 : memref<1x80xi32, #tpu.memory_space<vmem>> -> memref<80xi32, #tpu.memory_space<vmem>>
    %dma_wait3A_263 = arith.constant 0 : i32
    %dma_wait3A_264 = tpu.memref_slice %arg4[%dma_wait3A_263] : memref<320000xi32, #tpu.memory_space<hbm>> -> memref<80xi32, #tpu.memory_space<hbm>>
    tpu.wait_dma2 semaphore(%dma_wait3A_259 : memref<!tpu.dma_semaphore, #tpu.memory_space<semaphore_mem>>) src(%dma_wait3A_264 : memref<80xi32, #tpu.memory_space<hbm>>) dst(%dma_wait3A_262 : memref<80xi32, #tpu.memory_space<vmem>>)
    %dma_start3A_265 = arith.constant 0 : i32
    %dma_start3A_266 = arith.constant 0 : i32
    %dma_start3A_267 = arith.constant 0 : i32
    %dma_start3A_268 = arith.constant 0 : i32
    %dma_start3A_269 = arith.constant 0 : i32
    %dma_start3A_270 = tpu.memref_slice %arg10[%dma_start3A_265, %dma_start3A_268, %dma_start3A_269] : memref<4x80x128xf32, #tpu.memory_space<vmem>> -> memref<1x80x128xf32, #tpu.memory_space<vmem>>
    %dma_start3A_271 = tpu.memref_squeeze %dma_start3A_270 : memref<1x80x128xf32, #tpu.memory_space<vmem>> -> memref<80x128xf32, #tpu.memory_space<vmem>>
    %dma_start3A_272 = arith.constant 0 : i32
    %dma_start3A_273 = tpu.memref_slice %arg9[%dma_start3A_266, %dma_start3A_272] : memref<4x80xi32, #tpu.memory_space<vmem>> -> memref<1x80xi32, #tpu.memory_space<vmem>>
    %dma_start3A_274 = tpu.memref_squeeze %dma_start3A_273 : memref<1x80xi32, #tpu.memory_space<vmem>> -> memref<80xi32, #tpu.memory_space<vmem>>
    %dma_start3A_275 = arith.constant 0 : i32
    %dma_start3A_276 = arith.constant 0 : i32
    %dma_start3A_277 = tpu.memref_slice %arg7[%dma_start3A_275, %dma_start3A_276] : memref<10240x128xf32, #tpu.memory_space<vmem_shared>> -> memref<10240x128xf32, #tpu.memory_space<vmem_shared>>
    %dma_start3A_278 = tpu.memref_slice %arg12[%dma_start3A_267] : memref<4x!tpu.dma_semaphore, #tpu.memory_space<semaphore_mem>> -> memref<1x!tpu.dma_semaphore, #tpu.memory_space<semaphore_mem>>
    %dma_start3A_279 = tpu.memref_squeeze %dma_start3A_278 : memref<1x!tpu.dma_semaphore, #tpu.memory_space<semaphore_mem>> -> memref<!tpu.dma_semaphore, #tpu.memory_space<semaphore_mem>>
    tpu.enqueue_indirect_dma source(%dma_start3A_271 : memref<80x128xf32, #tpu.memory_space<vmem>>) target(%dma_start3A_277 : memref<10240x128xf32, #tpu.memory_space<vmem_shared>>) offsets(%dma_start3A_274 : memref<80xi32, #tpu.memory_space<vmem>>) semaphore(%dma_start3A_279 : memref<!tpu.dma_semaphore, #tpu.memory_space<semaphore_mem>>) {add = true}
    %dma_wait3A_280 = arith.constant 0 : i32
    %dma_wait3A_281 = arith.constant 0 : i32
    %dma_wait3A_282 = arith.constant 0 : i32
    %dma_wait3A_283 = arith.constant 0 : i32
    %dma_wait3A_284 = arith.constant 0 : i32
    %dma_wait3A_285 = tpu.memref_slice %arg10[%dma_wait3A_280, %dma_wait3A_283, %dma_wait3A_284] : memref<4x80x128xf32, #tpu.memory_space<vmem>> -> memref<1x80x128xf32, #tpu.memory_space<vmem>>
    %dma_wait3A_286 = tpu.memref_squeeze %dma_wait3A_285 : memref<1x80x128xf32, #tpu.memory_space<vmem>> -> memref<80x128xf32, #tpu.memory_space<vmem>>
    %dma_wait3A_287 = arith.constant 0 : i32
    %dma_wait3A_288 = tpu.memref_slice %arg9[%dma_wait3A_281, %dma_wait3A_287] : memref<4x80xi32, #tpu.memory_space<vmem>> -> memref<1x80xi32, #tpu.memory_space<vmem>>
    %dma_wait3A_289 = tpu.memref_squeeze %dma_wait3A_288 : memref<1x80xi32, #tpu.memory_space<vmem>> -> memref<80xi32, #tpu.memory_space<vmem>>
    %dma_wait3A_290 = arith.constant 0 : i32
    %dma_wait3A_291 = arith.constant 0 : i32
    %dma_wait3A_292 = tpu.memref_slice %arg7[%dma_wait3A_290, %dma_wait3A_291] : memref<10240x128xf32, #tpu.memory_space<vmem_shared>> -> memref<10240x128xf32, #tpu.memory_space<vmem_shared>>
    %dma_wait3A_293 = tpu.memref_slice %arg12[%dma_wait3A_282] : memref<4x!tpu.dma_semaphore, #tpu.memory_space<semaphore_mem>> -> memref<1x!tpu.dma_semaphore, #tpu.memory_space<semaphore_mem>>
    %dma_wait3A_294 = tpu.memref_squeeze %dma_wait3A_293 : memref<1x!tpu.dma_semaphore, #tpu.memory_space<semaphore_mem>> -> memref<!tpu.dma_semaphore, #tpu.memory_space<semaphore_mem>>
    tpu.wait_indirect_dma semaphore(%dma_wait3A_294 : memref<!tpu.dma_semaphore, #tpu.memory_space<semaphore_mem>>) src(%dma_wait3A_286 : memref<80x128xf32, #tpu.memory_space<vmem>>) dst(%dma_wait3A_292 : memref<10240x128xf32, #tpu.memory_space<vmem_shared>>)
    %barrier3A_295 = arith.constant 0 : index
    tpu.barrier barrier_id(%barrier3A_295)
    %mul3A_296 = arith.constant 640 : i32
    %mul3A_297 = arith.muli %arg1, %mul3A_296 : i32
    %mul3A_298 = arith.constant 640 : i32
    %mul3A_299 = arith.muli %arg1, %mul3A_298 : i32
    "tpu.region"() ({
      %run_scoped3A = tpu.sem_alloc : memref<!tpu.dma_semaphore, #tpu.memory_space<semaphore_mem>>
      %dma_start3A_300 = arith.constant 0 : i32
      %dma_start3A_301 = tpu.memref_slice %arg6[%arg0, %mul3A_299, %dma_start3A_300] : memref<2x10240x128xf32, #tpu.memory_space<hbm>> -> memref<1x640x128xf32, #tpu.memory_space<hbm>>
      %dma_start3A_302 = tpu.memref_squeeze %dma_start3A_301 : memref<1x640x128xf32, #tpu.memory_space<hbm>> -> memref<640x128xf32, #tpu.memory_space<hbm>>
      %dma_start3A_303 = arith.constant 0 : i32
      %dma_start3A_304 = tpu.memref_slice %arg7[%mul3A_297, %dma_start3A_303] : memref<10240x128xf32, #tpu.memory_space<vmem_shared>> -> memref<640x128xf32, #tpu.memory_space<vmem_shared>>
      tpu.enqueue_dma source(%dma_start3A_304 : memref<640x128xf32, #tpu.memory_space<vmem_shared>>) target(%dma_start3A_302 : memref<640x128xf32, #tpu.memory_space<hbm>>) target_semaphore(%run_scoped3A : memref<!tpu.dma_semaphore, #tpu.memory_space<semaphore_mem>>)
      %dma_wait3A_305 = arith.constant 0 : i32
      %dma_wait3A_306 = tpu.memref_slice %arg6[%arg0, %mul3A_299, %dma_wait3A_305] : memref<2x10240x128xf32, #tpu.memory_space<hbm>> -> memref<1x640x128xf32, #tpu.memory_space<hbm>>
      %dma_wait3A_307 = tpu.memref_squeeze %dma_wait3A_306 : memref<1x640x128xf32, #tpu.memory_space<hbm>> -> memref<640x128xf32, #tpu.memory_space<hbm>>
      %dma_wait3A_308 = arith.constant 0 : i32
      %dma_wait3A_309 = tpu.memref_slice %arg7[%mul3A_297, %dma_wait3A_308] : memref<10240x128xf32, #tpu.memory_space<vmem_shared>> -> memref<640x128xf32, #tpu.memory_space<vmem_shared>>
      tpu.wait_dma2 semaphore(%run_scoped3A : memref<!tpu.dma_semaphore, #tpu.memory_space<semaphore_mem>>) src(%dma_wait3A_309 : memref<640x128xf32, #tpu.memory_space<vmem_shared>>) dst(%dma_wait3A_307 : memref<640x128xf32, #tpu.memory_space<hbm>>)
      tpu.yield
    }) : () -> ()
    return
  }
}

module attributes {stable_mosaic.version = 14 : i64} {
  func.func @_tc_body(%arg0: memref<10000x128xf32, #tpu.memory_space<vmem>>, %arg1: memref<2x10240x128xf32, #tpu.memory_space<vmem>>, %arg2: memref<128x128xf32, #tpu.memory_space<vmem>>, %arg3: memref<1x128xf32, #tpu.memory_space<vmem>>, %arg4: memref<1x128xf32, #tpu.memory_space<vmem>>, %arg5: memref<1x128xf32, #tpu.memory_space<vmem>>, %arg6: memref<1x1xf32, #tpu.memory_space<vmem>>, %arg7: memref<10000x128xf32, #tpu.memory_space<vmem>>) attributes {dimension_semantics = [], scalar_prefetch = 0 : i64, scratch_operands = 0 : i64, tpu.core_type = #tpu.core_type<tc>} {
    %get3A = arith.constant 0 : index
    %get3A_0 = arith.constant 0 : index
    %get3A_1 = vector.load %arg0[%get3A, %get3A_0] : memref<10000x128xf32, #tpu.memory_space<vmem>>, vector<10000x128xf32>
    %get3A_2 = arith.constant 0 : index
    %get3A_3 = arith.constant 0 : index
    %get3A_4 = arith.constant 0 : index
    %get3A_5 = vector.load %arg1[%get3A_2, %get3A_3, %get3A_4] : memref<2x10240x128xf32, #tpu.memory_space<vmem>>, vector<1x10000x128xf32>
    %get3A_6 = vector.shape_cast %get3A_5 : vector<1x10000x128xf32> to vector<10000x128xf32>
    %get3A_7 = arith.constant 1 : index
    %get3A_8 = arith.constant 0 : index
    %get3A_9 = arith.constant 0 : index
    %get3A_10 = vector.load %arg1[%get3A_7, %get3A_8, %get3A_9] : memref<2x10240x128xf32, #tpu.memory_space<vmem>>, vector<1x10000x128xf32>
    %get3A_11 = vector.shape_cast %get3A_10 : vector<1x10000x128xf32> to vector<10000x128xf32>
    %add3A = arith.addf %get3A_6, %get3A_11 : vector<10000x128xf32>
    %get3A_12 = arith.constant 0 : index
    %get3A_13 = arith.constant 0 : index
    %get3A_14 = vector.load %arg6[%get3A_12, %get3A_13] : memref<1x1xf32, #tpu.memory_space<vmem>>, vector<1x1xf32>
    %get3A_15 = vector.extract %get3A_14[0, 0] : f32 from vector<1x1xf32>
    %add3A_16 = arith.constant 1.000000e+00 : f32
    %add3A_17 = arith.addf %add3A_16, %get3A_15 : f32
    %mul3A = vector.broadcast %add3A_17 : f32 to vector<10000x128xf32>
    %mul3A_18 = arith.mulf %mul3A, %get3A_1 : vector<10000x128xf32>
    %add3A_19 = arith.addf %mul3A_18, %add3A : vector<10000x128xf32>
    %get3A_20 = arith.constant 0 : index
    %get3A_21 = arith.constant 0 : index
    %get3A_22 = vector.load %arg2[%get3A_20, %get3A_21] : memref<128x128xf32, #tpu.memory_space<vmem>>, vector<128x128xf32>
    %dot_general3A = arith.constant dense<0.000000e+00> : vector<10000x128xf32>
    %dot_general3A_23 = tpu.matmul %add3A_19, %get3A_22, %dot_general3A {dimension_numbers = #tpu.dot_dimension_numbers<[1], [0], [0], [1], [0, 0, 1, 1], [], []>, transpose_lhs_hint = false} : vector<10000x128xf32>, vector<128x128xf32>, vector<10000x128xf32> -> vector<10000x128xf32>
    %get3A_24 = arith.constant 0 : index
    %get3A_25 = arith.constant 0 : index
    %get3A_26 = vector.load %arg3[%get3A_24, %get3A_25] : memref<1x128xf32, #tpu.memory_space<vmem>>, vector<1x128xf32>
    %add3A_27 = vector.broadcast %get3A_26 : vector<1x128xf32> to vector<10000x128xf32>
    %add3A_28 = arith.addf %dot_general3A_23, %add3A_27 : vector<10000x128xf32>
    %reduce_sum3A = arith.constant dense<0.000000e+00> : vector<128xf32>
    %reduce_sum3A_29 = vector.multi_reduction <add>, %add3A_28, %reduce_sum3A [0] : vector<10000x128xf32> to vector<128xf32>
    %broadcast_in_dim3A = vector.shape_cast %reduce_sum3A_29 : vector<128xf32> to vector<1x128xf32>
    %div3A = arith.constant 1.000000e+04 : f32
    %div3A_30 = vector.broadcast %div3A : f32 to vector<1x128xf32>
    %div3A_31 = arith.divf %broadcast_in_dim3A, %div3A_30 : vector<1x128xf32>
    %mul3A_32 = arith.mulf %add3A_28, %add3A_28 : vector<10000x128xf32>
    %reduce_sum3A_33 = arith.constant dense<0.000000e+00> : vector<128xf32>
    %reduce_sum3A_34 = vector.multi_reduction <add>, %mul3A_32, %reduce_sum3A_33 [0] : vector<10000x128xf32> to vector<128xf32>
    %broadcast_in_dim3A_35 = vector.shape_cast %reduce_sum3A_34 : vector<128xf32> to vector<1x128xf32>
    %div3A_36 = arith.constant 1.000000e+04 : f32
    %div3A_37 = vector.broadcast %div3A_36 : f32 to vector<1x128xf32>
    %div3A_38 = arith.divf %broadcast_in_dim3A_35, %div3A_37 : vector<1x128xf32>
    %mul3A_39 = arith.mulf %div3A_31, %div3A_31 : vector<1x128xf32>
    %sub3A = arith.subf %div3A_38, %mul3A_39 : vector<1x128xf32>
    %sub3A_40 = vector.broadcast %div3A_31 : vector<1x128xf32> to vector<10000x128xf32>
    %sub3A_41 = arith.subf %add3A_28, %sub3A_40 : vector<10000x128xf32>
    %add3A_42 = arith.constant 9.99999974E-6 : f32
    %add3A_43 = vector.broadcast %add3A_42 : f32 to vector<1x128xf32>
    %add3A_44 = arith.addf %sub3A, %add3A_43 : vector<1x128xf32>
    %rsqrt3A = math.rsqrt %add3A_44 : vector<1x128xf32>
    %mul3A_45 = vector.broadcast %rsqrt3A : vector<1x128xf32> to vector<10000x128xf32>
    %mul3A_46 = arith.mulf %sub3A_41, %mul3A_45 : vector<10000x128xf32>
    %get3A_47 = arith.constant 0 : index
    %get3A_48 = arith.constant 0 : index
    %get3A_49 = vector.load %arg4[%get3A_47, %get3A_48] : memref<1x128xf32, #tpu.memory_space<vmem>>, vector<1x128xf32>
    %mul3A_50 = vector.broadcast %get3A_49 : vector<1x128xf32> to vector<10000x128xf32>
    %mul3A_51 = arith.mulf %mul3A_46, %mul3A_50 : vector<10000x128xf32>
    %get3A_52 = arith.constant 0 : index
    %get3A_53 = arith.constant 0 : index
    %get3A_54 = vector.load %arg5[%get3A_52, %get3A_53] : memref<1x128xf32, #tpu.memory_space<vmem>>, vector<1x128xf32>
    %add3A_55 = vector.broadcast %get3A_54 : vector<1x128xf32> to vector<10000x128xf32>
    %add3A_56 = arith.addf %mul3A_51, %add3A_55 : vector<10000x128xf32>
    %max3A = arith.constant 0.000000e+00 : f32
    %max3A_57 = vector.broadcast %max3A : f32 to vector<10000x128xf32>
    %max3A_58 = arith.maximumf %add3A_56, %max3A_57 : vector<10000x128xf32>
    %add3A_59 = arith.addf %max3A_58, %get3A_1 : vector<10000x128xf32>
    %swap3A = arith.constant 0 : index
    %swap3A_60 = arith.constant 0 : index
    %swap3A_61 = vector.load %arg7[%swap3A, %swap3A_60] : memref<10000x128xf32, #tpu.memory_space<vmem>>, vector<10000x128xf32>
    tpu.vector_store %arg7[%swap3A, %swap3A_60], %add3A_59 {strides = array<i32>} : memref<10000x128xf32, #tpu.memory_space<vmem>>, vector<10000x128xf32>,
    return
  }
}

</mosaic_0001>

<sc_bundles>
// kernel: kernel.4.cloned.1.call-start
scs
__scs_entry_jumppad:
0x0: {  	(pc) =	sbr.rel $0x88, $3  }
0x1: {  	(tag) =	ssettag $0x0;
	lr =	simm.s32 $0x1  }
0x2: {  	[smem:$0x3F9A] =	sst lr;
	_ =	strace $0xD0000000  }
0x3: {  	_ = 	snop  }
0x4: {  	_ = 	snop  }
0x5: {  	_ = 	snop  }
0x6: {  	_ = 	snop  }
0x7: {  	_ = 	snop  }
__scs_overlays_trampoline_lowered:
0x8: {  	[smem:$0x3FA9] =	sst s0  }
0x9: {  	[smem:$0x3FAA] =	sst s1  }
0xa: {  	[smem:$0x3FAB] =	sst s2  }
0xb: {  	[smem:$0x3FAC] =	sst s3  }
0xc: {  	[smem:$0x3FAD] =	sst s4  }
0xd: {  	[smem:$0x3FAE] =	sst s5  }
0xe: {  	[smem:$0x3FAF] =	sst s6  }
0xf: {  	[smem:$0x3FB0] =	sst s7  }
0x10: {  	[smem:$0x3FB1] =	sst s8  }
0x11: {  	[smem:$0x3FB2] =	sst s9;
	s0 =	simm.s32 @!p0 $0x0  }
0x12: {  	s1 =	sld [smem:$0x3F98];
	s0 =	simm.s32 @p0 $0x1  }
0x13: {  	[smem:$0x3FB3] =	sst s0;
	s0 =	simm.s32 @!p1 $0x0  }
0x14: {  	s2 =	sld [smem:$0x3F97];
	s0 =	simm.s32 @p1 $0x1  }
0x15: {  	[smem:$0x3FB4] =	sst s0;
	s0 =	simm.s32 @!p2 $0x0  }
0x16: {  	s3 =	sld [smem:$0x3FDB];
	s0 =	simm.s32 @p2 $0x1  }
0x17: {  	s4 =	simm.s32 $0x1BF5;
	[smem:$0x3FB6] =	sst s0  }
0x18: {  	s0 =	sld [smem:$0x3F99];
	_ =	swait.ge [sflag:s4], $0x0  }
0x19: {  	s7 =	sld [smem:$0x3F9A]  }
0x1a: {  	s8 =	sadd.s32 $0xFFFFE003, lr  }
0x1b: {  	s9 =	sadd.s32 $0xFFFFFEF7, lr;
	s5 =	simm.s32 $0xFFFFFFFF;
	p2 =	slt.u32 s8, $0xFFFFF086  }
0x1c: {  	p1 =	slt.u32 s9, $0xF7A;
	s5 =	simm.s32 @!p2 $0x0  }
0x1d: {  	s5 =	simm.s32 @p1 $0x1;
	p0 =	seq.s32 s7, s2  }
0x1e: {  	s7 =	smul.u32 @!p0 $0xF7A, s2;
	p2 =	seq.s32 @!p0 s5, $0x0  }
0x1f: {  	s9 =	smul.u32 $0xF7A, s1;
	s8 =	simm.s32 @!p0 $0x1BF5;
	p2 =	por !p2, p0  }
0x20: {  	[sflag:s8] =	ssyncset.s32 @!p0 $0xFFFFF086;
	s6 =	sadd.s32 @!p0 s3, s7;
	s7 =	simm.s32 @!p0 $0x108  }
0x21: {  	s3 =	sadd.s32 s3, s9;
	s6 =	sadd.s32 @!p0 $0x88, s6;
	s7 =	simm.s32 @p2 $0x1082  }
0x22: {  	[simem:s7], [sflag:s8] =	dma.local @!p0 [hbm:s6], $0xF7A  }
0x23: {  	s9 =	sor.u32 $0xD0000000, s2;
	s6 =	simm.s32 $0x108;
	_ =	swait.ge @!p0 [sflag:s8], $0x0  }
0x24: {  	s3 =	sadd.s32 $0x88, s3;
	s6 =	simm.s32 @!p1 $0x1082;
	[sflag:s4] =	ssyncset.s32 $0xFFFFF086  }
0x25: {  	[simem:s6], [sflag:s4] =	dma.local [hbm:s3], $0xF7A  }
0x26: {  	[smem:$0x3F9A] =	sst s1;
	(tag) =	ssettag s2;
	_ =	strace s9  }
0x27: {  	s1 =	sld [smem:$0x3FAA]  }
0x28: {  	s2 =	sld [smem:$0x3FAB]  }
0x29: {  	s4 =	sld [smem:$0x3FAD]  }
0x2a: {  	p0 =	seq.s32 s5, $0x0;
	s5 =	sld [smem:$0x3FAE]  }
0x2b: {  	s6 =	sld [smem:$0x3FAF]  }
0x2c: {  	s7 =	sld [smem:$0x3FB0]  }
0x2d: {  	s3 =	simm.s32 $0x108;
	s8 =	sld [smem:$0x3FB1]  }
0x2e: {  	s3 =	simm.s32 @!p0 $0x1082;
	s9 =	sld [smem:$0x3FB2]  }
0x2f: {  	lr =	sadd.s32 s0, s3;
	s0 =	sld [smem:$0x3FA9]  }
0x30: {  	s3 =	sld [smem:$0x3FAC]  }
0x31: {  	[smem:$0x3FB5] =	sst s10  }
0x32: {  	s10 =	sld [smem:$0x3FB3];
	_ =	sdelay $0x3  }
0x33: {  	p0 =	seq.s32 s10, $0x1;
	s10 =	sld [smem:$0x3FB5];
	_ =	sdelay $0x3  }
0x34: {  	[smem:$0x3FB5] =	sst s10  }
0x35: {  	s10 =	sld [smem:$0x3FB4];
	_ =	sdelay $0x3  }
0x36: {  	p1 =	seq.s32 s10, $0x1;
	s10 =	sld [smem:$0x3FB5];
	_ =	sdelay $0x3  }
0x37: {  	[smem:$0x3FB5] =	sst s10  }
0x38: {  	s10 =	sld [smem:$0x3FB6]  }
0x39: {  	_ = 	snop;
	(pc) =	sbr.ind lr, $3  }
0x3a: {  	_ = 	snop  }
0x3b: {  	_ = 	snop  }
0x3c: {  	p2 =	seq.s32 s10, $0x1;
	s10 =	sld [smem:$0x3FB5]  }
0x3d: {  	_ =	shalt  }
0x3e: {  	_ =	shalt  }
0x3f: {  	_ =	shalt  }
0x40: {  	_ =	shalt  }
0x41: {  	_ =	shalt  }
0x42: {  	_ =	shalt  }
0x43: {  	_ =	shalt  }
0x44: {  	_ =	shalt  }
0x45: {  	_ =	shalt  }
0x46: {  	_ =	shalt  }
0x47: {  	_ =	shalt  }
0x48: {  	_ =	shalt  }
0x49: {  	_ =	shalt  }
0x4a: {  	_ =	shalt  }
0x4b: {  	_ =	shalt  }
0x4c: {  	_ =	shalt  }
0x4d: {  	_ =	shalt  }
0x4e: {  	_ =	shalt  }
0x4f: {  	_ =	shalt  }
0x50: {  	_ =	shalt  }
0x51: {  	_ =	shalt  }
0x52: {  	_ =	shalt  }
0x53: {  	_ =	shalt  }
0x54: {  	_ =	shalt  }
0x55: {  	_ =	shalt  }
0x56: {  	_ =	shalt  }
0x57: {  	_ =	shalt  }
0x58: {  	_ =	shalt  }
0x59: {  	_ =	shalt  }
0x5a: {  	_ =	shalt  }
0x5b: {  	_ =	shalt  }
0x5c: {  	_ =	shalt  }
0x5d: {  	_ =	shalt  }
0x5e: {  	_ =	shalt  }
0x5f: {  	_ =	shalt  }
0x60: {  	_ =	shalt  }
0x61: {  	_ =	shalt  }
0x62: {  	_ =	shalt  }
0x63: {  	_ =	shalt  }
0x64: {  	_ =	shalt  }
0x65: {  	_ =	shalt  }
0x66: {  	_ =	shalt  }
0x67: {  	_ =	shalt  }
0x68: {  	_ =	shalt  }
0x69: {  	_ =	shalt  }
0x6a: {  	_ =	shalt  }
0x6b: {  	_ =	shalt  }
0x6c: {  	_ =	shalt  }
0x6d: {  	_ =	shalt  }
0x6e: {  	_ =	shalt  }
0x6f: {  	_ =	shalt  }
0x70: {  	_ =	shalt  }
0x71: {  	_ =	shalt  }
0x72: {  	_ =	shalt  }
0x73: {  	_ =	shalt  }
0x74: {  	_ =	shalt  }
0x75: {  	_ =	shalt  }
0x76: {  	_ =	shalt  }
0x77: {  	_ =	shalt  }
0x78: {  	_ =	shalt  }
0x79: {  	_ =	shalt  }
0x7a: {  	_ =	shalt  }
0x7b: {  	_ =	shalt  }
0x7c: {  	_ =	shalt  }
0x7d: {  	_ =	shalt  }
0x7e: {  	_ =	shalt  }
0x7f: {  	_ =	shalt  }
0x80: {  	_ =	shalt  }
0x81: {  	_ =	shalt  }
0x82: {  	_ =	shalt  }
0x83: {  	_ =	shalt  }
0x84: {  	_ =	shalt  }
0x85: {  	_ =	shalt  }
0x86: {  	_ =	shalt  }
0x87: {  	_ =	shalt  }
.Lfunc_end0:
.L_simem_size_0:
called_computation_lowered:
.L_overlay_start_0:
0x88: {  	s2 =	sld [smem:$0x3FD9]  }
0x89: {  	s3 =	sld [smem:$0x3FFE];
	_ =	sdelay $0x1  }
0x8a: {  	s1 =	srdreg.scid  }
0x8b: {  	s0 =	sand.u32 $0x1, s1  }
0x8c: {  	s17 =	sshll.u32 s0, $0xA;
	s2 =	sadd.s32 s3, s2  }
0x8d: {  	s2 =	sadd.s32 s2, s17  }
0x8e: {  	[smem:$0x3FC1] =	sst s2  }
0x8f: {  	_ = 	snop  }
0x90: {  	s2 =	sld [smem:$0x3FC9]  }
0x91: {  	s18 =	sld [smem:$0x3FD0];
	(tm) =	ssettm $0x1  }
0x92: {  	s4 =	sld [smem:$0x3FFB];
	_ =	sdelay $0x3  }
0x93: {  	_ =	strace s4  }
0x94: {  	s4 =	sld [smem:$0x3FFC];
	_ =	sdelay $0x3  }
0x95: {  	_ =	strace s4  }
0x96: {  	s4 =	sld [smem:$0x3FFD];
	_ =	sdelay $0x3  }
0x97: {  	_ =	strace s4  }
0x98: {  	_ =	strace $0x8FFFFFFF  }
0x99: {  	s19 =	sld [smem:$0x3FDB];
	_ =	sdelay $0x1  }
0x9a: {  	s5 =	simm.s32 $_scs_section_size  }
0x9b: {  	s6 =	simm.s32 $_size__tile_overlayer_lowered;
	s7 =	simm.s32 $_tile_overlayer_lowered  }
0x9c: {  	s22 =	simm.s32 $0x1BFF;
	s21 =	sshll.u32 s7, $0x1;
	s4 =	sadd.s32 s5, s19  }
0x9d: {  	s8 =	simm.s32 $0x0;
	s20 =	sshll.u32 s6, $0x1;
	s6 =	sadd.s32 s21, s4  }
0x9e: {  	[timem:s8], [sflag:s22] =	dma.local [hbm:s6], s20  }
0x9f: {  	_ =	swait.ge [sflag:s22], s20  }
0xa0: {  	s5 =	ssub.s32 $0x0, s20;
	[sflag:s22] =	ssyncset.done $0x0  }
0xa1: {  	[sflag:s22] =	ssyncadd.s32 s5;
	_ =	sdelay $0x1  }
0xa2: {  	s23 =	simm.s32 $0x1B8B  }
0xa3: {  	_ =	swait.ge [sflag:s23], $0x1  }
0xa4: {  	[sflag:s23] =	ssyncset.done $0x0  }
0xa5: {  	s25 =	simm.s32 $0x1B8E;
	s24 =	sld [smem:$0x3FFE];
	[sflag:s23] =	ssyncadd.s32 $0xFFFFFFFF  }
0xa6: {  	s26 =	simm.s32 $execute0_lowered;
	[smem:$0x3FD2] =	sst s25  }
0xa7: {  	s6 =	sshll.u32 s26, $0x1;
	_ =	strace $0x80000046;
	[dreg:$0x1] =	wrdreg $0xFFFFFFFF  }
0xa8: {  	s28 =	simm.s32 $_size_execute0_lowered;
	s4 =	sadd.s32 s4, s6;
	[dreg:$0x0] =	wrdreg $0x0  }
0xa9: {  	s6 =	sshll.u32 s28, $0x1;
	[dreg:$0x2] =	wrdreg s4  }
0xaa: {  	[dreg:$0x3] =	wrdreg s6  }
0xab: {  	[dreg:$0x4] =	wrdreg $0xC0  }
0xac: {  	_ =	task [dreg:s8], $0x5FFFF  }
0xad: {  	[dreg:$0x1] =	wrdreg $0xFFFFFFFF  }
0xae: {  	[dreg:$0x0] =	wrdreg $0x60  }
0xaf: {  	[dreg:$0x2] =	wrdreg s2  }
0xb0: {  	[dreg:$0x3] =	wrdreg s24  }
0xb1: {  	[dreg:$0x4] =	wrdreg s18  }
0xb2: {  	[dreg:$0x5] =	wrdreg $0x0  }
0xb3: {  	[dreg:$0x6] =	wrdreg $0x9  }
0xb4: {  	_ =	task.clear_ibuf [dreg:s8], $0x7FFFF;
	_ =	strace $0x90000046  }
0xb5: {  	s29 =	simm.s32 $0x9;
	_ =	strace $0x80000048  }
0xb6: {  	_ =	swait.ge [sflag:s29], $0x1  }
0xb7: {  	[sflag:s29] =	ssyncadd.s32 $0xFFFFFFFF  }
0xb8: {  	_ =	strace $0x90000048  }
0xb9: {  	_ =	sfence  }
0xba: {  	s30 =	sld [smem:$0x0];
	_ =	sdelay $0x2  }
0xbb: {  	s31 =	sshll.u32 s1, $0xD;
	s1 =	sshrl.u32 s1, $0x2  }
0xbc: {  	s3 =	sand.u32 $0x4000, s31;
	s1 =	sadd.s32 s1, s30  }
0xbd: {  	s0 =	sor.u32 s3, s0;
	s1 =	sshll.u32 s1, $0x11  }
0xbe: {  	s0 =	sor.u32 s1, s0  }
0xbf: {  	s0 =	sadd.s32 $0x8F2B, s0  }
0xc0: {  	[sflag:s0] =	ssyncadd.remote.s32 $0x1  }
0xc1: {  	_ =	sfence.sel $0xFFFF  }
0xc2: {  	[dreg:$0x0] =	wrdreg $0xFFFFFFFF;
	(pc) =	sbr.abs _section_cstart, $3  }
0xc3: {  	[dreg:$0x1] =	wrdreg $0xFFFFFFFF  }
0xc4: {  	_ =	task.clear_ibuf [dreg:s8], $0x2FFFF;
	_ =	strace $0x9FFFFFFF  }
0xc5: {  	(tm) =	ssettm $0x7FFFFFFF  }
tec
execute0_lowered:
.L_overlay_start_1:
0x0: {  	(tag) =	ssettag $0x1  }
0x1: {  	s19 =	rddreg [dreg:$0x0]  }
0x2: {  	s1 =	rddreg [dreg:$0x1]  }
0x3: {  	s10 =	rddreg [dreg:$0x2]  }
0x4: {  	s2 =	srdreg.scid;
	s0 =	rddreg [dreg:$0x3]  }
0x5: {  	s9 =	stileid.u32;
	s5 =	simm.s32 $0x0;
	s29 =	simm.s32 $0x14200  }
0x6: {  	s30 =	simm.s32 $0x14280;
	s28 =	simm.s32 $0x2;
	s31 =	simm.s32 $0x3  }
0x7: {  	s2 =	sand.u32 $0x1, s2;
	s6 =	smul.u32 $0x14000, s9;
	[smem:$0x7FF] =	sst s5  }
0x8: {  	s11 =	sadd.s32 $0xE00, s1;
	s21 =	sadd.s32 $0xAC00, s1;
	s8 =	smul.u32 $0x50000, s9  }
0x9: {  	s22 =	sshll.u32 s9, $0x1;
	s25 =	sshll.u32 s9, $0x6;
	s3 =	smul.u32 $0x140000, s2  }
0xa: {  	_ =	strace $0x80000047;
	[dreg:$0x6] =	wrdreg s21;
	s7 =	ssub.s32 $0x2, s2  }
0xb: {  	s4 =	smul.u32 $0x4E20, s9;
	[dreg:$0x5] =	wrdreg s11;
	s23 =	sshrl.u32 s7, $0x1  }
0xc: {  	s3 =	sadd.s32 s6, s3;
	s6 =	sor.u32 s2, s22;
	s2 =	smul.u32 $0x2710, s2  }
0xd: {  	s24 =	sshrl.u32 s8, $0x2;
	s3 =	sshrl.u32 s3, $0x3;
	s6 =	smul.u32 $0x2710, s6  }
0xe: {  	s1 =	sadd.s32 s3, s1;
	s3 =	ssub.s32 s7, s23;
	s7 =	sadd.s32 s24, s0  }
0xf: {  	s24 =	sor.u32 $0x1C11, s25;
	s2 =	sadd.s32 s2, s4;
	s4 =	simm.s32 $0x19400  }
0x10: {  	[dreg:$0x7] =	wrdreg s7;
	s6 =	sshrl.u32 s6, $0x3;
	s17 =	sadd.s32 $0x190, s2  }
0x11: {  	s1 =	sadd.s32 $0xD400, s1;
	s18 =	smax.u32 s3, $0x1;
	s21 =	sadd.s32 $0x140, s2  }
0x12: {  	s23 =	sadd.s32 $0x1E0, s2;
	s2 =	sadd.s32 $0x230, s2;
	[dreg:$0x8] =	wrdreg s24  }
0x13: {  	s7 =	simm.s32 $0x11;
	s26 =	sadd.s32 s11, s6;
	[dreg:$0x11] =	wrdreg s1  }
0x14: {  	s0 =	sadd.s32 s10, s6;
	s9 =	sadd.s32 $0xA, s6;
	[dreg:$0x12] =	wrdreg s18  }
0x15: {  	s13 =	sadd.s32 $0x14, s6;
	s6 =	sadd.s32 $0x1E, s6;
	[dreg:$0x13] =	wrdreg s21  }
0x16: {  	s20 =	sshrl.u32 s17, $0x3;
	s25 =	sshrl.u32 s23, $0x3;
	[dreg:$0x9] =	wrdreg s26  }
0x17: {  	s17 =	simm.s32 $0x14300;
	[dreg:$0xa] =	wrdreg s0;
	s12 =	sadd.s32 s11, s9  }
0x18: {  	s18 =	simm.s32 $0xC;
	s8 =	sadd.s32 s10, s9;
	[dreg:$0xb] =	wrdreg s12  }
0x19: {  	s21 =	simm.s32 $0x5;
	s14 =	sadd.s32 s11, s13;
	[dreg:$0xc] =	wrdreg s8  }
0x1a: {  	s23 =	simm.s32 $0x6;
	s15 =	sadd.s32 s10, s13;
	[dreg:$0xd] =	wrdreg s14  }
0x1b: {  	s16 =	sadd.s32 s11, s6;
	s6 =	sadd.s32 s10, s6;
	[dreg:$0xe] =	wrdreg s15  }
0x1c: {  	s22 =	sadd.s32 s20, s10;
	s1 =	sadd.s32 s20, s11;
	[dreg:$0xf] =	wrdreg s16  }
0x1d: {  	s3 =	sadd.s32 s25, s10;
	s26 =	sshrl.u32 s2, $0x3;
	[dreg:$0x10] =	wrdreg s6  }
0x1e: {  	s13 =	simm.s32 $0x14380;
	s20 =	simm.s32 $0x1;
	[dreg:$0x14] =	wrdreg s22  }
0x1f: {  	s9 =	simm.s32 $0xD;
	s0 =	simm.s32 $0x0;
	[dreg:$0x15] =	wrdreg s1  }
0x20: {  	[dreg:$0x16] =	wrdreg s3;
	s1 =	sadd.s32 s25, s11;
	s2 =	sadd.s32 s26, s10  }
.Ltmp0:
0x21: {  	s12 =	simm.s32 $0x50;
	s14 =	simm.s32 $0x1BC00;
	(pc) =	sbr.rel .LBB2_1-.Ltmp0, $4  }
0x22: {  	s3 =	simm.s32 $0xE;
	s8 =	simm.s32 $0x4;
	s6 =	simm.s32 $0x10  }
0x23: {  	s25 =	simm.s32 $0x7;
	s22 =	simm.s32 $0x8;
	[dreg:$0x17] =	wrdreg s1  }
0x24: {  	s16 =	simm.s32 $0x19400;
	[dreg:$0x18] =	wrdreg s2;
	s1 =	sadd.s32 s26, s11  }
0x25: {  	s26 =	simm.s32 $0x14400;
	s2 =	simm.s32 $0xF;
	[dreg:$0x19] =	wrdreg s1  }
.LBB2_4:
0x26: {  	_ =	swait.ge [sflag:s25], $0x2800  }
0x27: {  	[sflag:s25] =	ssyncset.done $0x0  }
0x28: {  	[sflag:s25] =	ssyncadd.s32 $0xFFFFD800  }
0x29: {  	_ =	swait.ge [sflag:s22], $0x2800  }
0x2a: {  	[sflag:s22] =	ssyncset.done $0x0  }
0x2b: {  	[sflag:s22] =	ssyncadd.s32 $0xFFFFD800  }
0x2c: {  	_ =	swait.ge [sflag:s20], $0x2800  }
0x2d: {  	[sflag:s20] =	ssyncset.done $0x0  }
0x2e: {  	[sflag:s20] =	ssyncadd.s32 $0xFFFFD800  }
0x2f: {  	_ =	swait.ge [sflag:s9], $0x50  }
0x30: {  	[sflag:s9] =	ssyncset.done $0x0  }
0x31: {  	[sflag:s9] =	ssyncadd.s32 $0xFFFFFFB0  }
0x32: {  	s26 =	simm.s32 $0x14400;
	s0 =	rddreg [dreg:$0x3]  }
0x33: {  	[spmem:s0] =	stream.indirect.scatter.add.f32 [tilespmem:s26], [sflag:$0x5], $0x80, s29, s12, $0xb8;
	[tilespmem:$0x1E400] =	vst v63  }
0x34: {  	_ =	swait.ge [sflag:s21], $0x2800  }
0x35: {  	[sflag:s21] =	ssyncset.done $0x0  }
0x36: {  	[sflag:s21] =	ssyncadd.s32 $0xFFFFD800  }
0x37: {  	[bflag:$0x0] =	sbarrier.arrive $0xFFFF  }
0x38: {  	s24 =	rddreg [dreg:$0x8]  }
0x39: {  	s1 =	rddreg [dreg:$0x11]  }
0x3a: {  	s7 =	simm.s32 $0x11;
	s13 =	rddreg [dreg:$0x1b]  }
0x3b: {  	[hbm:s1], [sflag:s24] =	dma.local [spmem:s13], $0x2800  }
0x3c: {  	_ =	swait.ge [sflag:s7], $0x2800  }
0x3d: {  	s15 =	rddreg [dreg:$0x1a]  }
0x3e: {  	s17 =	rddreg [dreg:$0x12];
	s0 =	sadd.s32 $0x1, s15  }
0x3f: {  	p0 =	sne.s32 s0, s17  }
.Ltmp1:
0x40: {  	_ = 	snop;
	(pc) =	sbr.rel @!p0 .LBB2_5-.Ltmp1, $3  }
0x41: {  	_ =	sdelay $0x1  }
0x42: {  	s30 =	simm.s32 $0x14280;
	s4 =	simm.s32 $0x19400;
	[sflag:s7] =	ssyncset.done $0x0  }
0x43: {  	s13 =	simm.s32 $0x14380;
	[sflag:s7] =	ssyncadd.s32 $0xFFFFD800;
	s17 =	simm.s32 $0x14300  }
.LBB2_1:
0x44: {  	[dreg:$0x1a] =	wrdreg s0  }
0x45: {  	s1 =	rddreg [dreg:$0x7]  }
0x46: {  	s15 =	rddreg [dreg:$0x6];
	s11 =	sshrl.u32 s1, $0x3  }
0x47: {  	[dreg:$0x1b] =	wrdreg s11  }
0x48: {  	[spmem:s11], [sflag:s24] =	dma.local [hbm:s15], $0x2800  }
0x49: {  	_ =	swait.ge [sflag:s7], $0x2800  }
0x4a: {  	[sflag:s7] =	ssyncset.done $0x0  }
0x4b: {  	[sflag:s7] =	ssyncadd.s32 $0xFFFFD800  }
0x4c: {  	[bflag:$0x0] =	sbarrier.arrive $0xFFFF  }
0x4d: {  	s7 =	simm.s32 $0x14000;
	s10 =	rddreg [dreg:$0x9]  }
0x4e: {  	[tilespmem:s7], [sflag:$0x9] =	stream.linear.gather [hbm4b:s10+s5], $0x50, $0x38;
	[tilespmem:$0x1E400] =	vst v63  }
0x4f: {  	s11 =	rddreg [dreg:$0xa]  }
0x50: {  	[tilespmem:s29], [sflag:$0xD] =	stream.linear.gather [hbm4b:s11+s5], $0x50, $0x38;
	[tilespmem:$0x1E400] =	vst v63  }
0x51: {  	s15 =	rddreg [dreg:$0xb];
	s10 =	simm.s32 $0x14080  }
0x52: {  	[tilespmem:s10], [sflag:$0xA] =	stream.linear.gather [hbm4b:s15+s5], $0x50, $0x38;
	[tilespmem:$0x1E400] =	vst v63  }
0x53: {  	s24 =	rddreg [dreg:$0xc]  }
0x54: {  	[tilespmem:s30], [sflag:$0xE] =	stream.linear.gather [hbm4b:s24+s5], $0x50, $0x38;
	[tilespmem:$0x1E400] =	vst v63  }
0x55: {  	s0 =	rddreg [dreg:$0xd];
	s15 =	simm.s32 $0x14100  }
0x56: {  	[tilespmem:s15], [sflag:$0xB] =	stream.linear.gather [hbm4b:s0+s5], $0x50, $0x38;
	[tilespmem:$0x1E400] =	vst v63  }
0x57: {  	s11 =	rddreg [dreg:$0xe]  }
0x58: {  	[tilespmem:s17], [sflag:$0xF] =	stream.linear.gather [hbm4b:s11+s5], $0x50, $0x38;
	[tilespmem:$0x1E400] =	vst v63  }
0x59: {  	s24 =	rddreg [dreg:$0xf];
	s17 =	simm.s32 $0x14180  }
0x5a: {  	[tilespmem:s17], [sflag:$0xC] =	stream.linear.gather [hbm4b:s24+s5], $0x50, $0x38;
	[tilespmem:$0x1E400] =	vst v63  }
0x5b: {  	s0 =	rddreg [dreg:$0x10];
	s11 =	simm.s32 $0x9  }
0x5c: {  	[tilespmem:s13], [sflag:$0x10] =	stream.linear.gather [hbm4b:s0+s5], $0x50, $0x38;
	[tilespmem:$0x1E400] =	vst v63  }
0x5d: {  	_ =	swait.ge [sflag:s11], $0x50  }
0x5e: {  	[sflag:s11] =	ssyncset.done $0x0  }
0x5f: {  	s13 =	simm.s32 $0xA;
	[sflag:s11] =	ssyncadd.s32 $0xFFFFFFB0  }
0x60: {  	[tilespmem:s26], [sflag:$0x1] =	stream.indirect.gather [hbm4b:s19+s12], $0x80, s7, s12, $0xb8;
	[tilespmem:$0x1E400] =	vst v63  }
0x61: {  	_ =	swait.ge [sflag:s13], $0x50  }
0x62: {  	[sflag:s13] =	ssyncset.done $0x0  }
0x63: {  	s24 =	simm.s32 $0x16C00;
	s26 =	simm.s32 $0xB;
	[sflag:s13] =	ssyncadd.s32 $0xFFFFFFB0  }
0x64: {  	[tilespmem:s24], [sflag:$0x2] =	stream.indirect.gather [hbm4b:s19+s12], $0x80, s10, s12, $0xb8;
	[tilespmem:$0x1E400] =	vst v63  }
0x65: {  	_ =	swait.ge [sflag:s26], $0x50  }
0x66: {  	[sflag:s26] =	ssyncset.done $0x0  }
0x67: {  	[sflag:s26] =	ssyncadd.s32 $0xFFFFFFB0  }
0x68: {  	[tilespmem:s4], [sflag:$0x3] =	stream.indirect.gather [hbm4b:s19+s12], $0x80, s15, s12, $0xb8;
	[tilespmem:$0x1E400] =	vst v63  }
0x69: {  	_ =	swait.ge [sflag:s18], $0x50  }
0x6a: {  	s0 =	simm.s32 $0x16C00;
	[sflag:s18] =	ssyncset.done $0x0  }
0x6b: {  	s11 =	simm.s32 $0x1BC00;
	s13 =	simm.s32 $0x14380;
	[sflag:s18] =	ssyncadd.s32 $0xFFFFFFB0  }
0x6c: {  	[tilespmem:s14], [sflag:$0x4] =	stream.indirect.gather [hbm4b:s19+s12], $0x80, s17, s12, $0xb8;
	[tilespmem:$0x1E400] =	vst v63  }
0x6d: {  	s26 =	simm.s32 $0x0;
	s24 =	rddreg [dreg:$0x13];
	s17 =	simm.s32 $0x14300  }
.LBB2_2:
0x6e: {  	_ =	swait.ge [sflag:s20], $0x2800  }
0x6f: {  	[sflag:s20] =	ssyncset.done $0x0  }
0x70: {  	[sflag:s20] =	ssyncadd.s32 $0xFFFFD800  }
0x71: {  	_ =	swait.ge [sflag:s9], $0x50  }
0x72: {  	[sflag:s9] =	ssyncset.done $0x0  }
0x73: {  	s7 =	rddreg [dreg:$0x5];
	[sflag:s9] =	ssyncadd.s32 $0xFFFFFFB0  }
0x74: {  	s4 =	simm.s32 $0x14400;
	s1 =	sshrl.u32 s24, $0x3;
	s14 =	rddreg [dreg:$0x3]  }
0x75: {  	[spmem:s14] =	stream.indirect.scatter.add.f32 [tilespmem:s4], [sflag:$0x5], $0x80, s29, s12, $0xb8;
	[tilespmem:$0x1E400] =	vst v63  }
0x76: {  	s10 =	simm.s32 $0x14000;
	s7 =	sadd.s32 s7, s1  }
0x77: {  	[tilespmem:s10], [sflag:$0x9] =	stream.linear.gather [hbm4b:s7+s5], $0x50, $0x38;
	[tilespmem:$0x1E400] =	vst v63  }
0x78: {  	_ =	swait.ge [sflag:s28], $0x2800  }
0x79: {  	[sflag:s28] =	ssyncset.done $0x0  }
0x7a: {  	[sflag:s28] =	ssyncadd.s32 $0xFFFFD800  }
0x7b: {  	_ =	swait.ge [sflag:s3], $0x50  }
0x7c: {  	[sflag:s3] =	ssyncset.done $0x0  }
0x7d: {  	p0 =	seq.s32 s26, $0x4B0;
	s7 =	rddreg [dreg:$0x15];
	[sflag:s3] =	ssyncadd.s32 $0xFFFFFFB0  }
0x7e: {  	[spmem:s14] =	stream.indirect.scatter.add.f32 [tilespmem:s0], [sflag:$0x6], $0x80, s30, s12, $0xb8;
	[tilespmem:$0x1E400] =	vst v63  }
0x7f: {  	s29 =	simm.s32 @!p0 $0x0;
	s7 =	sadd.s32 @!p0 s26, s7;
	s30 =	simm.s32 @!p0 $0x14080  }
0x80: {  	[tilespmem:s30], [sflag:$0xA] =	stream.linear.gather @!p0 [hbm4b:s7+s29], $0x50, $0x38;
	[tilespmem:$0x1E400] =	vst v63  }
0x81: {  	_ =	swait.ge [sflag:s31], $0x2800  }
0x82: {  	[sflag:s31] =	ssyncset.done $0x0  }
0x83: {  	[sflag:s31] =	ssyncadd.s32 $0xFFFFD800  }
0x84: {  	_ =	swait.ge [sflag:s2], $0x50  }
0x85: {  	[sflag:s2] =	ssyncset.done $0x0  }
0x86: {  	s7 =	rddreg [dreg:$0x17];
	[sflag:s2] =	ssyncadd.s32 $0xFFFFFFB0  }
0x87: {  	[spmem:s14] =	stream.indirect.scatter.add.f32 [tilespmem:s16], [sflag:$0x7], $0x80, s17, s12, $0xb8;
	[tilespmem:$0x1E400] =	vst v63  }
0x88: {  	s30 =	simm.s32 @!p0 $0x14100;
	s7 =	sadd.s32 @!p0 s26, s7  }
0x89: {  	[tilespmem:s30], [sflag:$0xB] =	stream.linear.gather @!p0 [hbm4b:s7+s29], $0x50, $0x38;
	[tilespmem:$0x1E400] =	vst v63  }
0x8a: {  	_ =	swait.ge [sflag:s8], $0x2800  }
0x8b: {  	[sflag:s8] =	ssyncset.done $0x0  }
0x8c: {  	[sflag:s8] =	ssyncadd.s32 $0xFFFFD800  }
0x8d: {  	_ =	swait.ge [sflag:s6], $0x50  }
0x8e: {  	[sflag:s6] =	ssyncset.done $0x0  }
0x8f: {  	s7 =	rddreg [dreg:$0x19];
	[sflag:s6] =	ssyncadd.s32 $0xFFFFFFB0  }
0x90: {  	[spmem:s14] =	stream.indirect.scatter.add.f32 [tilespmem:s11], [sflag:$0x8], $0x80, s13, s12, $0xb8;
	[tilespmem:$0x1E400] =	vst v63  }
0x91: {  	s30 =	simm.s32 @!p0 $0x14180;
	s7 =	sadd.s32 @!p0 s26, s7  }
0x92: {  	[tilespmem:s30], [sflag:$0xC] =	stream.linear.gather @!p0 [hbm4b:s7+s29], $0x50, $0x38;
	[tilespmem:$0x1E400] =	vst v63  }
0x93: {  	_ =	swait.ge [sflag:s21], $0x2800  }
0x94: {  	[sflag:s21] =	ssyncset.done $0x0  }
0x95: {  	[sflag:s21] =	ssyncadd.s32 $0xFFFFD800  }
0x96: {  	s14 =	rddreg [dreg:$0x2]  }
0x97: {  	s29 =	simm.s32 $0x14200;
	s30 =	simm.s32 $0x9;
	s1 =	sadd.s32 s14, s1  }
0x98: {  	[tilespmem:s29], [sflag:$0xD] =	stream.linear.gather [hbm4b:s1+s5], $0x50, $0x38;
	[tilespmem:$0x1E400] =	vst v63  }
0x99: {  	_ =	swait.ge [sflag:s30], $0x50  }
0x9a: {  	[sflag:s30] =	ssyncset.done $0x0  }
.Ltmp2:
0x9b: {  	[sflag:s30] =	ssyncadd.s32 $0xFFFFFFB0;
	(pc) =	sbr.rel @p0 .LBB2_4-.Ltmp2, $4  }
0x9c: {  	[tilespmem:s4], [sflag:$0x1] =	stream.indirect.gather [hbm4b:s19+s12], $0x80, s10, s12, $0xb8;
	[tilespmem:$0x1E400] =	vst v63  }
0x9d: {  	_ =	swait.ge [sflag:s23], $0x2800  }
0x9e: {  	s15 =	simm.s32 $0x14280;
	[sflag:s23] =	ssyncset.done $0x0  }
0x9f: {  	s0 =	simm.s32 $0x16C00;
	s14 =	simm.s32 $0x1BC00;
	[sflag:s23] =	ssyncadd.s32 $0xFFFFD800  }
0xa0: {  	s1 =	rddreg [dreg:$0x14]  }
0xa1: {  	s11 =	simm.s32 $0xA;
	s1 =	sadd.s32 s26, s1  }
0xa2: {  	[tilespmem:s15], [sflag:$0xE] =	stream.linear.gather [hbm4b:s1+s5], $0x50, $0x38;
	[tilespmem:$0x1E400] =	vst v63  }
0xa3: {  	_ =	swait.ge [sflag:s11], $0x50  }
0xa4: {  	[sflag:s11] =	ssyncset.done $0x0  }
0xa5: {  	s15 =	simm.s32 $0x14080;
	[sflag:s11] =	ssyncadd.s32 $0xFFFFFFB0  }
0xa6: {  	[tilespmem:s0], [sflag:$0x2] =	stream.indirect.gather [hbm4b:s19+s12], $0x80, s15, s12, $0xb8;
	[tilespmem:$0x1E400] =	vst v63  }
0xa7: {  	_ =	swait.ge [sflag:s25], $0x2800  }
0xa8: {  	[sflag:s25] =	ssyncset.done $0x0;
	s4 =	rddreg [dreg:$0x16]  }
0xa9: {  	s7 =	simm.s32 $0xB;
	[sflag:s25] =	ssyncadd.s32 $0xFFFFD800;
	s1 =	sadd.s32 s26, s4  }
0xaa: {  	[tilespmem:s17], [sflag:$0xF] =	stream.linear.gather [hbm4b:s1+s5], $0x50, $0x38;
	[tilespmem:$0x1E400] =	vst v63  }
0xab: {  	_ =	swait.ge [sflag:s7], $0x50  }
0xac: {  	[sflag:s7] =	ssyncset.done $0x0  }
0xad: {  	s10 =	simm.s32 $0x14100;
	[sflag:s7] =	ssyncadd.s32 $0xFFFFFFB0  }
0xae: {  	[tilespmem:s16], [sflag:$0x3] =	stream.indirect.gather [hbm4b:s19+s12], $0x80, s10, s12, $0xb8;
	[tilespmem:$0x1E400] =	vst v63  }
0xaf: {  	_ =	swait.ge [sflag:s22], $0x2800  }
0xb0: {  	[sflag:s22] =	ssyncset.done $0x0;
	s11 =	rddreg [dreg:$0x18]  }
0xb1: {  	[sflag:s22] =	ssyncadd.s32 $0xFFFFD800;
	s1 =	sadd.s32 s26, s11  }
0xb2: {  	[tilespmem:s13], [sflag:$0x10] =	stream.linear.gather [hbm4b:s1+s5], $0x50, $0x38;
	[tilespmem:$0x1E400] =	vst v63  }
.Ltmp3:
0xb3: {  	_ = 	snop;
	(pc) =	sbr.rel .LBB2_2-.Ltmp3, $4  }
0xb4: {  	s24 =	sadd.s32 $0x140, s24;
	s30 =	simm.s32 $0x14280;
	_ =	swait.ge [sflag:s18], $0x50  }
0xb5: {  	s15 =	simm.s32 $0x14180;
	s0 =	simm.s32 $0x16C00;
	[sflag:s18] =	ssyncset.done $0x0  }
0xb6: {  	s26 =	sadd.s32 $0x28, s26;
	s11 =	simm.s32 $0x1BC00;
	[sflag:s18] =	ssyncadd.s32 $0xFFFFFFB0  }
0xb7: {  	[tilespmem:s14], [sflag:$0x4] =	stream.indirect.gather [hbm4b:s19+s12], $0x80, s15, s12, $0xb8;
	[tilespmem:$0x1E400] =	vst v63  }
.LBB2_5:
0xb8: {  	_ =	sfence.sel $0x180000  }
0xb9: {  	[bflag:$0x0] =	sbarrier.arrive $0xFFFF  }
0xba: {  	_ =	strace $0x90000047  }
0xbb: {  	s0 =	stileid.u32;
	[bflag:$0x2] =	sbarrier.arrive $0xFFFF  }
0xbc: {  	p0 =	sne.s32 s0, $0x0;
	s0 =	rddreg [dreg:$0x4]  }
0xbd: {  	s0 =	sadd.s32 @!p0 $0x100000, s0  }
0xbe: {  	[sflag:s0] =	ssyncadd.tile.s32 @!p0 $0x1;
	_ =	shalt  }
.Lfunc_end2:
_tile_overlayer_lowered:
.L_overlay_start_2:
0xbf: {  	(tag) =	ssettag $0x2  }
0xc0: {  	s0 =	rddreg [dreg:$0x0];
	s2 =	stileid.u32  }
0xc1: {  	s1 =	rddreg [dreg:$0x1];
	p0 =	sne.s32 s2, $0x0  }
0xc2: {  	s3 =	rddreg [dreg:$0x2];
	[bflag:$0x3] =	sbarrier.arrive $0xFFFF;
	s2 =	simm.s32 @!p0 $0x1C11  }
0xc3: {  	[timem:s3], [sflag:s2] =	dma.local @!p0 [hbm:s0], s1  }
0xc4: {  	s0 =	simm.s32 @!p0 $0x11  }
0xc5: {  	_ =	swait.ge @!p0 [sflag:s0], s1  }
0xc6: {  	s1 =	ssub.s32 @!p0 $0x0, s1;
	[sflag:s0] =	ssyncset.done @!p0 $0x0  }
0xc7: {  	[sflag:s0] =	ssyncadd.s32 @!p0 s1  }
0xc8: {  	[bflag:$0x3] =	sbarrier.arrive $0xFFFF  }
0xc9: {  	_ =	shalt  }

</sc_bundles>
